<compile_context>
chip_gen: v7x
topology: tpu7x:2x2x1
jax: 0.10.2.dev20260603
libtpu: 0.0.44.dev20260713+nightly
codegen_flags: <defaults>
</compile_context>

<pallas_src>
import functools

import jax
import jax.numpy as jnp
from jax import lax
from jax.experimental import pallas as pl
from jax.experimental.pallas import tpu as pltpu
from jax.experimental.pallas import tpu_sc as plsc

N_NODES = 10000
N_EDGES = 320000
D_IN = 128
D_HID = 128
D_OUT = 47
D_OUT_PAD = 48

NC = 2
NS = 16
NW = NC * NS

B_EDGE = 125
N_CHUNKS = N_EDGES // B_EDGE
CPT = N_CHUNKS // NW
ACC_ROWS = 10240
DEG_ROWS = 10240

_mesh = plsc.VectorSubcoreMesh(core_axis_name="c", subcore_axis_name="s",
                               num_cores=NC, num_subcores=NS)


def _deg_body(edge_hbm, zeros_hbm, ones_hbm, out_hbm, dst_v, ones_v, acc):
    cid = lax.axis_index("c")
    sid = lax.axis_index("s")
    wid = sid * NC + cid
    stripe = DEG_ROWS // NS
    pltpu.sync_copy(edge_hbm.at[1, pl.ds(wid * CPT, CPT)], dst_v)
    pltpu.sync_copy(ones_hbm, ones_v)
    pltpu.sync_copy(zeros_hbm, acc.at[pl.ds(sid * stripe, stripe)])
    plsc.subcore_barrier()

    def body(g, carry):
        pltpu.sync_copy(ones_v, acc.at[dst_v.at[g]], add=True)
        return carry

    lax.fori_loop(0, CPT, body, 0)
    plsc.subcore_barrier()
    pltpu.sync_copy(acc.at[pl.ds(sid * stripe, stripe)],
                    out_hbm.at[cid, pl.ds(sid * stripe, stripe)])


_deg_kernel = functools.partial(
    pl.kernel,
    _deg_body,
    out_type=jax.ShapeDtypeStruct((NC, DEG_ROWS), jnp.float32),
    mesh=_mesh,
    scratch_types=[
        pltpu.VMEM((CPT, B_EDGE), jnp.int32),
        pltpu.VMEM((B_EDGE,), jnp.float32),
        pltpu.VMEM_SHARED((DEG_ROWS,), jnp.float32),
    ],
)()


def _make_agg(d_feat, d_sub, slab):
    stripe = ACC_ROWS // NS
    n_pass = d_feat // d_sub
    n_quad = slab // 4

    def body(y_hbm, edge_hbm, zeros_hbm, out_hbm,
             src_v, dst_v, b0, b1, b2, b3, table, acc,
             gs0, gs1, gs2, gs3, ss0, ss1, ss2, ss3):
        cid = lax.axis_index("c")
        sid = lax.axis_index("s")
        wid = sid * NC + cid
        row0 = sid * stripe

        def gather(g, buf, sem):
            pltpu.async_copy(table.at[src_v.at[g]], buf, sem)

        def gather_wait(g, buf, sem):
            pltpu.make_async_copy(table.at[src_v.at[g]], buf, sem).wait()

        def scat(g, buf, sem):
            pltpu.async_copy(buf, acc.at[dst_v.at[g]], sem, add=True)

        def scat_wait(g, buf, sem):
            pltpu.make_async_copy(buf, acc.at[dst_v.at[g]], sem).wait()

        for h in range(n_pass):
            cols = pl.ds(h * d_sub, d_sub)
            pltpu.sync_copy(y_hbm.at[pl.ds(row0, stripe), cols],
                            table.at[pl.ds(row0, stripe)])
            pltpu.sync_copy(zeros_hbm, acc.at[pl.ds(row0, stripe)])
            plsc.subcore_barrier()

            def do_slab(s, carry):
                base = wid * CPT + s * slab
                pltpu.sync_copy(edge_hbm.at[0, pl.ds(base, slab)], src_v)
                pltpu.sync_copy(edge_hbm.at[1, pl.ds(base, slab)], dst_v)
                gather(0, b0, gs0)
                gather(1, b1, gs1)

                def quad(k, carry):
                    g = 4 * k
                    gather_wait(g, b0, gs0)
                    scat(g, b0, ss0)

                    @pl.when(k > 0)
                    def _():
                        scat_wait(g - 2, b2, ss2)
                    gather(g + 2, b2, gs2)

                    gather_wait(g + 1, b1, gs1)
                    scat(g + 1, b1, ss1)

                    @pl.when(k > 0)
                    def _():
                        scat_wait(g - 1, b3, ss3)
                    gather(g + 3, b3, gs3)

                    gather_wait(g + 2, b2, gs2)
                    scat(g + 2, b2, ss2)

                    @pl.when(k < n_quad - 1)
                    def _():
                        scat_wait(g, b0, ss0)
                        gather(g + 4, b0, gs0)

                    gather_wait(g + 3, b3, gs3)
                    scat(g + 3, b3, ss3)

                    @pl.when(k < n_quad - 1)
                    def _():
                        scat_wait(g + 1, b1, ss1)
                        gather(g + 5, b1, gs1)

                    return carry

                lax.fori_loop(0, n_quad, quad, 0)
                scat_wait(slab - 4, b0, ss0)
                scat_wait(slab - 3, b1, ss1)
                scat_wait(slab - 2, b2, ss2)
                scat_wait(slab - 1, b3, ss3)
                return carry

            lax.fori_loop(0, CPT // slab, do_slab, 0)
            plsc.subcore_barrier()
            pltpu.sync_copy(acc.at[pl.ds(row0, stripe)],
                            out_hbm.at[cid, pl.ds(row0, stripe), cols])

    return functools.partial(
        pl.kernel,
        body,
        out_type=jax.ShapeDtypeStruct((NC, ACC_ROWS, D_HID), jnp.float32),
        mesh=_mesh,
        scratch_types=(
            [pltpu.VMEM((slab, B_EDGE), jnp.int32),
             pltpu.VMEM((slab, B_EDGE), jnp.int32)]
            + [pltpu.VMEM((B_EDGE, d_sub), jnp.float32)] * 4
            + [pltpu.VMEM_SHARED((ACC_ROWS, d_sub), jnp.float32)] * 2
            + [pltpu.SemaphoreType.DMA] * 8
        ),
        compiler_params=pltpu.CompilerParams(use_tc_tiling_on_sc=False),
    )()


_agg128 = _make_agg(D_HID, 64, 40)
_agg48 = _make_agg(D_OUT_PAD, D_OUT_PAD, 80)


def _tc_pre(x_ref, w1_ref, degt_ref, y_ref):
    deg = degt_ref[:, 0:1] + degt_ref[:, 1:2] + 1.0
    dinv = lax.rsqrt(deg)
    y_ref[:N_NODES] = jnp.dot(x_ref[...], w1_ref[...],
                              preferred_element_type=jnp.float32) * dinv
    y_ref[N_NODES:] = jnp.zeros((ACC_ROWS - N_NODES, D_HID), jnp.float32)


def _tc_mid(a1_ref, y1_ref, degt_ref, w2_ref, b1_ref, y2_ref):
    deg = degt_ref[:, 0:1] + degt_ref[:, 1:2] + 1.0
    dinv = lax.rsqrt(deg)
    h = dinv * (a1_ref[0, :N_NODES] + a1_ref[1, :N_NODES]
                + y1_ref[:N_NODES]) + b1_ref[...]
    h = jnp.maximum(h, 0.0)
    y2_ref[:N_NODES] = jnp.dot(h, w2_ref[...],
                               preferred_element_type=jnp.float32) * dinv
    y2_ref[N_NODES:] = jnp.zeros((ACC_ROWS - N_NODES, D_HID), jnp.float32)


def _tc_post(a2_ref, y2_ref, degt_ref, b2_ref, out_ref):
    deg = degt_ref[:, 0:1] + degt_ref[:, 1:2] + 1.0
    dinv = lax.rsqrt(deg)
    o = dinv * (a2_ref[0, :N_NODES, :D_OUT_PAD]
                + a2_ref[1, :N_NODES, :D_OUT_PAD]
                + y2_ref[:N_NODES, :D_OUT_PAD]) + b2_ref[...]
    col = lax.broadcasted_iota(jnp.int32, (N_NODES, D_OUT_PAD), 1)
    o = jnp.where(col < D_OUT, o, -1e30)
    m = jnp.max(o, axis=1, keepdims=True)
    e = jnp.exp(o - m)
    lse = jnp.log(jnp.sum(e, axis=1, keepdims=True))
    out_ref[...] = (o - m - lse)[:, :D_OUT]


def kernel(x, edge_index, W1, b1, W2, b2):
    edges = edge_index.reshape(2, N_CHUNKS, B_EDGE)
    ones = jnp.ones((B_EDGE,), jnp.float32)

    z1d = jnp.zeros((DEG_ROWS // NS,), jnp.float32)
    z128 = jnp.zeros((ACC_ROWS // NS, 64), jnp.float32)
    z48 = jnp.zeros((ACC_ROWS // NS, D_OUT_PAD), jnp.float32)
    W2p = jnp.pad(W2, ((0, 0), (0, D_HID - D_OUT)))
    b2p = jnp.pad(b2, (0, D_OUT_PAD - D_OUT))

    deg_parts = _deg_kernel(edges, z1d, ones)
    degt = jnp.transpose(deg_parts[:, :N_NODES])

    y1 = pl.pallas_call(
        _tc_pre,
        out_shape=jax.ShapeDtypeStruct((ACC_ROWS, D_HID), jnp.float32),
    )(x, W1, degt)

    a1 = _agg128(y1, edges, z128)

    y2 = pl.pallas_call(
        _tc_mid,
        out_shape=jax.ShapeDtypeStruct((ACC_ROWS, D_HID), jnp.float32),
    )(a1, y1, degt, W2p, b1)

    a2 = _agg48(y2, edges, z48)

    return pl.pallas_call(
        _tc_post,
        out_shape=jax.ShapeDtypeStruct((N_NODES, D_OUT), jnp.float32),
    )(a2, y2, degt, b2p)

# --- scband reference (transcript-rebuilt; emitter-appended) ---
"""Pipeline reference for scband-gcn-54348516164017 (READ-ONLY COPY).

The authoritative reference and input builder live on the scoring server;
editing this copy changes nothing except your own understanding.
"""

import jax, jax.numpy as jnp
import numpy as np

N_NODES = 10000
N_EDGES = 320000
D_IN = 128
D_HID = 128
D_OUT = 47


def gcn_conv(x, edge_index, W, b, n):
    # GCNConv with self-loops and symmetric normalization:
    # x' = D^{-1/2} (A + I) D^{-1/2} X W + b
    src = edge_index[0]
    dst = edge_index[1]
    loop = jnp.arange(n, dtype=src.dtype)
    src = jnp.concatenate([src, loop])
    dst = jnp.concatenate([dst, loop])
    xW = x @ W
    ones = jnp.ones(dst.shape[0], dtype=x.dtype)
    deg = jax.ops.segment_sum(ones, dst, num_segments=n)
    dinv = jnp.where(deg > 0, jax.lax.rsqrt(jnp.maximum(deg, 1e-12)), 0.0)
    norm = dinv[src] * dinv[dst]
    msg = xW[src] * norm[:, None]
    out = jax.ops.segment_sum(msg, dst, num_segments=n)
    return out + b


def setup_inputs(seed: int = 0) -> dict:
    key = jax.random.key(seed)
    ks = jax.random.split(key, 6)
    x = jax.random.normal(ks[0], (N_NODES, D_IN), dtype=jnp.float32)
    edge_index = jax.random.randint(ks[1], (2, N_EDGES), 0, N_NODES, dtype=jnp.int32)
    W1 = jax.random.normal(ks[2], (D_IN, D_HID), dtype=jnp.float32) * (1.0 / np.sqrt(D_IN))
    b1 = jnp.zeros((D_HID,), dtype=jnp.float32)
    W2 = jax.random.normal(ks[3], (D_HID, D_OUT), dtype=jnp.float32) * (1.0 / np.sqrt(D_HID))
    b2 = jnp.zeros((D_OUT,), dtype=jnp.float32)
    return {"x": x, "edge_index": edge_index, "W1": W1, "b1": b1, "W2": W2, "b2": b2}


def reference(x, edge_index, W1, b1, W2, b2):
    n = x.shape[0]
    h = jax.nn.relu(gcn_conv(x, edge_index, W1, b1, n))
    # dropout is a no-op in eval mode (training=False)
    h = gcn_conv(h, edge_index, W2, b2, n)
    return jax.nn.log_softmax(h, axis=1)

if __name__ == "__main__":
    import jax
    _d = setup_inputs()
    print(jax.jit(kernel)(*tuple(_d.values())))

</pallas_src>

<mosaic_0001>
#map = affine_map<(d0, d1) -> (0, 0)>
#map1 = affine_map<(d0, d1) -> (0, 0, 0)>
module attributes {stable_mosaic.version = 14 : i64} {
  func.func @body(%arg0: i32, %arg1: i32, %arg2: memref<10240x128xf32, #tpu.memory_space<hbm>>, %arg3: memref<2x2560x125xi32, #tpu.memory_space<hbm>>, %arg4: memref<640x48xf32, #tpu.memory_space<hbm>>, %arg5: memref<2x10240x128xf32, #tpu.memory_space<hbm>>, %arg6: memref<80x125xi32, #tpu.memory_space<vmem>>, %arg7: memref<80x125xi32, #tpu.memory_space<vmem>>, %arg8: memref<125x48xf32, #tpu.memory_space<vmem>>, %arg9: memref<125x48xf32, #tpu.memory_space<vmem>>, %arg10: memref<125x48xf32, #tpu.memory_space<vmem>>, %arg11: memref<125x48xf32, #tpu.memory_space<vmem>>, %arg12: memref<10240x48xf32, #tpu.memory_space<vmem_shared>>, %arg13: memref<10240x48xf32, #tpu.memory_space<vmem_shared>>, %arg14: memref<!tpu.dma_semaphore, #tpu.memory_space<semaphore_mem>>, %arg15: memref<!tpu.dma_semaphore, #tpu.memory_space<semaphore_mem>>, %arg16: memref<!tpu.dma_semaphore, #tpu.memory_space<semaphore_mem>>, %arg17: memref<!tpu.dma_semaphore, #tpu.memory_space<semaphore_mem>>, %arg18: memref<!tpu.dma_semaphore, #tpu.memory_space<semaphore_mem>>, %arg19: memref<!tpu.dma_semaphore, #tpu.memory_space<semaphore_mem>>, %arg20: memref<!tpu.dma_semaphore, #tpu.memory_space<semaphore_mem>>, %arg21: memref<!tpu.dma_semaphore, #tpu.memory_space<semaphore_mem>>) attributes {dimension_semantics = [#tpu.dimension_semantics<core_parallel>, #tpu.dimension_semantics<subcore_parallel>], iteration_bounds = array<i64: 2, 16>, scalar_prefetch = 0 : i64, scratch_operands = 16 : i64, tpu.core_type = #tpu.core_type<sc_vector_subcore>, window_params = [{transform_indices = #map}, {transform_indices = #map1}, {transform_indices = #map}, {transform_indices = #map1}]} {
    %mul3A = arith.constant 2 : i32
    %mul3A_0 = arith.muli %arg1, %mul3A : i32
    %add3A = arith.addi %mul3A_0, %arg0 : i32
    %mul3A_1 = arith.constant 640 : i32
    %mul3A_2 = arith.muli %arg1, %mul3A_1 : i32
    "tpu.region"() ({
      %run_scoped3A_58 = tpu.sem_alloc : memref<!tpu.dma_semaphore, #tpu.memory_space<semaphore_mem>>
      %dma_start3A_59 = arith.constant 0 : i32
      %dma_start3A_60 = tpu.memref_slice %arg12[%mul3A_2, %dma_start3A_59] : memref<10240x48xf32, #tpu.memory_space<vmem_shared>> -> memref<640x48xf32, #tpu.memory_space<vmem_shared>>
      %dma_start3A_61 = arith.constant 0 : i32
      %dma_start3A_62 = tpu.memref_slice %arg2[%mul3A_2, %dma_start3A_61] : memref<10240x128xf32, #tpu.memory_space<hbm>> -> memref<640x48xf32, #tpu.memory_space<hbm>>
      tpu.enqueue_dma source(%dma_start3A_62 : memref<640x48xf32, #tpu.memory_space<hbm>>) target(%dma_start3A_60 : memref<640x48xf32, #tpu.memory_space<vmem_shared>>) target_semaphore(%run_scoped3A_58 : memref<!tpu.dma_semaphore, #tpu.memory_space<semaphore_mem>>)
      %dma_wait3A_63 = arith.constant 0 : i32
      %dma_wait3A_64 = tpu.memref_slice %arg12[%mul3A_2, %dma_wait3A_63] : memref<10240x48xf32, #tpu.memory_space<vmem_shared>> -> memref<640x48xf32, #tpu.memory_space<vmem_shared>>
      %dma_wait3A_65 = arith.constant 0 : i32
      %dma_wait3A_66 = tpu.memref_slice %arg2[%mul3A_2, %dma_wait3A_65] : memref<10240x128xf32, #tpu.memory_space<hbm>> -> memref<640x48xf32, #tpu.memory_space<hbm>>
      tpu.wait_dma2 semaphore(%run_scoped3A_58 : memref<!tpu.dma_semaphore, #tpu.memory_space<semaphore_mem>>) src(%dma_wait3A_66 : memref<640x48xf32, #tpu.memory_space<hbm>>) dst(%dma_wait3A_64 : memref<640x48xf32, #tpu.memory_space<vmem_shared>>)
      tpu.yield
    }) : () -> ()
    "tpu.region"() ({
      %run_scoped3A_58 = tpu.sem_alloc : memref<!tpu.dma_semaphore, #tpu.memory_space<semaphore_mem>>
      %dma_start3A_59 = arith.constant 0 : i32
      %dma_start3A_60 = tpu.memref_slice %arg13[%mul3A_2, %dma_start3A_59] : memref<10240x48xf32, #tpu.memory_space<vmem_shared>> -> memref<640x48xf32, #tpu.memory_space<vmem_shared>>
      tpu.enqueue_dma source(%arg4 : memref<640x48xf32, #tpu.memory_space<hbm>>) target(%dma_start3A_60 : memref<640x48xf32, #tpu.memory_space<vmem_shared>>) target_semaphore(%run_scoped3A_58 : memref<!tpu.dma_semaphore, #tpu.memory_space<semaphore_mem>>)
      %dma_wait3A_61 = arith.constant 0 : i32
      %dma_wait3A_62 = tpu.memref_slice %arg13[%mul3A_2, %dma_wait3A_61] : memref<10240x48xf32, #tpu.memory_space<vmem_shared>> -> memref<640x48xf32, #tpu.memory_space<vmem_shared>>
      tpu.wait_dma2 semaphore(%run_scoped3A_58 : memref<!tpu.dma_semaphore, #tpu.memory_space<semaphore_mem>>) src(%arg4 : memref<640x48xf32, #tpu.memory_space<hbm>>) dst(%dma_wait3A_62 : memref<640x48xf32, #tpu.memory_space<vmem_shared>>)
      tpu.yield
    }) : () -> ()
    %barrier3A = arith.constant 0 : index
    tpu.barrier barrier_id(%barrier3A)
    %scan3A = arith.constant 0 : i32
    %scan3A_3 = arith.constant 0 : i32
    %mul3A_4 = arith.constant 80 : i32
    %mul3A_5 = arith.muli %add3A, %mul3A_4 : i32
    %mul3A_6 = arith.constant 80 : i32
    %mul3A_7 = arith.muli %scan3A_3, %mul3A_6 : i32
    %add3A_8 = arith.addi %mul3A_5, %mul3A_7 : i32
    %run_scoped3A = arith.constant 0 : i32
    "tpu.region"() ({
      %run_scoped3A_58 = tpu.sem_alloc : memref<!tpu.dma_semaphore, #tpu.memory_space<semaphore_mem>>
      %dma_start3A_59 = arith.constant 0 : i32
      %dma_start3A_60 = tpu.memref_slice %arg3[%run_scoped3A, %add3A_8, %dma_start3A_59] : memref<2x2560x125xi32, #tpu.memory_space<hbm>> -> memref<1x80x125xi32, #tpu.memory_space<hbm>>
      %dma_start3A_61 = tpu.memref_squeeze %dma_start3A_60 : memref<1x80x125xi32, #tpu.memory_space<hbm>> -> memref<80x125xi32, #tpu.memory_space<hbm>>
      %dma_start3A_62 = arith.constant 0 : i32
      %dma_start3A_63 = tpu.memref_slice %arg3[%run_scoped3A, %add3A_8, %dma_start3A_62] : memref<2x2560x125xi32, #tpu.memory_space<hbm>> -> memref<1x80x125xi32, #tpu.memory_space<hbm>>
      %dma_start3A_64 = tpu.memref_squeeze %dma_start3A_63 : memref<1x80x125xi32, #tpu.memory_space<hbm>> -> memref<80x125xi32, #tpu.memory_space<hbm>>
      tpu.enqueue_dma source(%dma_start3A_64 : memref<80x125xi32, #tpu.memory_space<hbm>>) target(%arg6 : memref<80x125xi32, #tpu.memory_space<vmem>>) target_semaphore(%run_scoped3A_58 : memref<!tpu.dma_semaphore, #tpu.memory_space<semaphore_mem>>)
      %dma_wait3A_65 = arith.constant 0 : i32
      %dma_wait3A_66 = tpu.memref_slice %arg3[%run_scoped3A, %add3A_8, %dma_wait3A_65] : memref<2x2560x125xi32, #tpu.memory_space<hbm>> -> memref<1x80x125xi32, #tpu.memory_space<hbm>>
      %dma_wait3A_67 = tpu.memref_squeeze %dma_wait3A_66 : memref<1x80x125xi32, #tpu.memory_space<hbm>> -> memref<80x125xi32, #tpu.memory_space<hbm>>
      %dma_wait3A_68 = arith.constant 0 : i32
      %dma_wait3A_69 = tpu.memref_slice %arg3[%run_scoped3A, %add3A_8, %dma_wait3A_68] : memref<2x2560x125xi32, #tpu.memory_space<hbm>> -> memref<1x80x125xi32, #tpu.memory_space<hbm>>
      %dma_wait3A_70 = tpu.memref_squeeze %dma_wait3A_69 : memref<1x80x125xi32, #tpu.memory_space<hbm>> -> memref<80x125xi32, #tpu.memory_space<hbm>>
      tpu.wait_dma2 semaphore(%run_scoped3A_58 : memref<!tpu.dma_semaphore, #tpu.memory_space<semaphore_mem>>) src(%dma_wait3A_70 : memref<80x125xi32, #tpu.memory_space<hbm>>) dst(%arg6 : memref<80x125xi32, #tpu.memory_space<vmem>>)
      tpu.yield
    }) : () -> ()
    %run_scoped3A_9 = arith.constant 1 : i32
    "tpu.region"() ({
      %run_scoped3A_58 = tpu.sem_alloc : memref<!tpu.dma_semaphore, #tpu.memory_space<semaphore_mem>>
      %dma_start3A_59 = arith.constant 0 : i32
      %dma_start3A_60 = tpu.memref_slice %arg3[%run_scoped3A_9, %add3A_8, %dma_start3A_59] : memref<2x2560x125xi32, #tpu.memory_space<hbm>> -> memref<1x80x125xi32, #tpu.memory_space<hbm>>
      %dma_start3A_61 = tpu.memref_squeeze %dma_start3A_60 : memref<1x80x125xi32, #tpu.memory_space<hbm>> -> memref<80x125xi32, #tpu.memory_space<hbm>>
      %dma_start3A_62 = arith.constant 0 : i32
      %dma_start3A_63 = tpu.memref_slice %arg3[%run_scoped3A_9, %add3A_8, %dma_start3A_62] : memref<2x2560x125xi32, #tpu.memory_space<hbm>> -> memref<1x80x125xi32, #tpu.memory_space<hbm>>
      %dma_start3A_64 = tpu.memref_squeeze %dma_start3A_63 : memref<1x80x125xi32, #tpu.memory_space<hbm>> -> memref<80x125xi32, #tpu.memory_space<hbm>>
      tpu.enqueue_dma source(%dma_start3A_64 : memref<80x125xi32, #tpu.memory_space<hbm>>) target(%arg7 : memref<80x125xi32, #tpu.memory_space<vmem>>) target_semaphore(%run_scoped3A_58 : memref<!tpu.dma_semaphore, #tpu.memory_space<semaphore_mem>>)
      %dma_wait3A_65 = arith.constant 0 : i32
      %dma_wait3A_66 = tpu.memref_slice %arg3[%run_scoped3A_9, %add3A_8, %dma_wait3A_65] : memref<2x2560x125xi32, #tpu.memory_space<hbm>> -> memref<1x80x125xi32, #tpu.memory_space<hbm>>
      %dma_wait3A_67 = tpu.memref_squeeze %dma_wait3A_66 : memref<1x80x125xi32, #tpu.memory_space<hbm>> -> memref<80x125xi32, #tpu.memory_space<hbm>>
      %dma_wait3A_68 = arith.constant 0 : i32
      %dma_wait3A_69 = tpu.memref_slice %arg3[%run_scoped3A_9, %add3A_8, %dma_wait3A_68] : memref<2x2560x125xi32, #tpu.memory_space<hbm>> -> memref<1x80x125xi32, #tpu.memory_space<hbm>>
      %dma_wait3A_70 = tpu.memref_squeeze %dma_wait3A_69 : memref<1x80x125xi32, #tpu.memory_space<hbm>> -> memref<80x125xi32, #tpu.memory_space<hbm>>
      tpu.wait_dma2 semaphore(%run_scoped3A_58 : memref<!tpu.dma_semaphore, #tpu.memory_space<semaphore_mem>>) src(%dma_wait3A_70 : memref<80x125xi32, #tpu.memory_space<hbm>>) dst(%arg7 : memref<80x125xi32, #tpu.memory_space<vmem>>)
      tpu.yield
    }) : () -> ()
    %dma_start3A = arith.constant 0 : i32
    %dma_start3A_10 = arith.constant 0 : i32
    %dma_start3A_11 = tpu.memref_slice %arg6[%dma_start3A, %dma_start3A_10] : memref<80x125xi32, #tpu.memory_space<vmem>> -> memref<1x125xi32, #tpu.memory_space<vmem>>
    %dma_start3A_12 = tpu.memref_squeeze %dma_start3A_11 : memref<1x125xi32, #tpu.memory_space<vmem>> -> memref<125xi32, #tpu.memory_space<vmem>>
    %dma_start3A_13 = arith.constant 0 : i32
    %dma_start3A_14 = arith.constant 0 : i32
    %dma_start3A_15 = tpu.memref_slice %arg12[%dma_start3A_13, %dma_start3A_14] : memref<10240x48xf32, #tpu.memory_space<vmem_shared>> -> memref<10240x48xf32, #tpu.memory_space<vmem_shared>>
    tpu.enqueue_indirect_dma source(%dma_start3A_15 : memref<10240x48xf32, #tpu.memory_space<vmem_shared>>) target(%arg8 : memref<125x48xf32, #tpu.memory_space<vmem>>) offsets(%dma_start3A_12 : memref<125xi32, #tpu.memory_space<vmem>>) semaphore(%arg14 : memref<!tpu.dma_semaphore, #tpu.memory_space<semaphore_mem>>)
    %dma_start3A_16 = arith.constant 1 : i32
    %dma_start3A_17 = arith.constant 0 : i32
    %dma_start3A_18 = tpu.memref_slice %arg6[%dma_start3A_16, %dma_start3A_17] : memref<80x125xi32, #tpu.memory_space<vmem>> -> memref<1x125xi32, #tpu.memory_space<vmem>>
    %dma_start3A_19 = tpu.memref_squeeze %dma_start3A_18 : memref<1x125xi32, #tpu.memory_space<vmem>> -> memref<125xi32, #tpu.memory_space<vmem>>
    %dma_start3A_20 = arith.constant 0 : i32
    %dma_start3A_21 = arith.constant 0 : i32
    %dma_start3A_22 = tpu.memref_slice %arg12[%dma_start3A_20, %dma_start3A_21] : memref<10240x48xf32, #tpu.memory_space<vmem_shared>> -> memref<10240x48xf32, #tpu.memory_space<vmem_shared>>
    tpu.enqueue_indirect_dma source(%dma_start3A_22 : memref<10240x48xf32, #tpu.memory_space<vmem_shared>>) target(%arg9 : memref<125x48xf32, #tpu.memory_space<vmem>>) offsets(%dma_start3A_19 : memref<125xi32, #tpu.memory_space<vmem>>) semaphore(%arg15 : memref<!tpu.dma_semaphore, #tpu.memory_space<semaphore_mem>>)
    %scan3A_23 = arith.constant 0 : i32
    %scan3A_24 = arith.constant 0 : i32
    %scan3A_25 = arith.constant 20 : i32
    %scan3A_26 = arith.addi %scan3A_24, %scan3A_25 : i32
    %scan3A_27 = arith.constant 1 : i32
    scf.for %scan3A_58 = %scan3A_24 to %scan3A_26 step %scan3A_27  : i32 {
      %mul3A_59 = arith.constant 4 : i32
      %mul3A_60 = arith.muli %mul3A_59, %scan3A_58 : i32
      %dma_wait3A_61 = arith.constant 0 : i32
      %dma_wait3A_62 = tpu.memref_slice %arg6[%mul3A_60, %dma_wait3A_61] : memref<80x125xi32, #tpu.memory_space<vmem>> -> memref<1x125xi32, #tpu.memory_space<vmem>>
      %dma_wait3A_63 = tpu.memref_squeeze %dma_wait3A_62 : memref<1x125xi32, #tpu.memory_space<vmem>> -> memref<125xi32, #tpu.memory_space<vmem>>
      %dma_wait3A_64 = arith.constant 0 : i32
      %dma_wait3A_65 = arith.constant 0 : i32
      %dma_wait3A_66 = tpu.memref_slice %arg12[%dma_wait3A_64, %dma_wait3A_65] : memref<10240x48xf32, #tpu.memory_space<vmem_shared>> -> memref<10240x48xf32, #tpu.memory_space<vmem_shared>>
      tpu.wait_indirect_dma semaphore(%arg14 : memref<!tpu.dma_semaphore, #tpu.memory_space<semaphore_mem>>) src(%dma_wait3A_66 : memref<10240x48xf32, #tpu.memory_space<vmem_shared>>) dst(%arg8 : memref<125x48xf32, #tpu.memory_space<vmem>>)
      %dma_start3A_67 = arith.constant 0 : i32
      %dma_start3A_68 = tpu.memref_slice %arg7[%mul3A_60, %dma_start3A_67] : memref<80x125xi32, #tpu.memory_space<vmem>> -> memref<1x125xi32, #tpu.memory_space<vmem>>
      %dma_start3A_69 = tpu.memref_squeeze %dma_start3A_68 : memref<1x125xi32, #tpu.memory_space<vmem>> -> memref<125xi32, #tpu.memory_space<vmem>>
      %dma_start3A_70 = arith.constant 0 : i32
      %dma_start3A_71 = arith.constant 0 : i32
      %dma_start3A_72 = tpu.memref_slice %arg13[%dma_start3A_70, %dma_start3A_71] : memref<10240x48xf32, #tpu.memory_space<vmem_shared>> -> memref<10240x48xf32, #tpu.memory_space<vmem_shared>>
      tpu.enqueue_indirect_dma source(%arg8 : memref<125x48xf32, #tpu.memory_space<vmem>>) target(%dma_start3A_72 : memref<10240x48xf32, #tpu.memory_space<vmem_shared>>) offsets(%dma_start3A_69 : memref<125xi32, #tpu.memory_space<vmem>>) semaphore(%arg18 : memref<!tpu.dma_semaphore, #tpu.memory_space<semaphore_mem>>) {add = true}
      %gt3A = arith.constant 0 : i32
      %gt3A_73 = arith.cmpi sgt, %scan3A_58, %gt3A : i32
      %convert_element_type3A = arith.extui %gt3A_73 : i1 to i32
      %cond3A = arith.constant 0 : i32
      %cond3A_74 = arith.cmpi ne, %convert_element_type3A, %cond3A : i32
      scf.if %cond3A_74 {
        %sub3A = arith.constant 2 : i32
        %sub3A_153 = arith.subi %mul3A_60, %sub3A : i32
        %dma_wait3A_154 = arith.constant 0 : i32
        %dma_wait3A_155 = tpu.memref_slice %arg7[%sub3A_153, %dma_wait3A_154] : memref<80x125xi32, #tpu.memory_space<vmem>> -> memref<1x125xi32, #tpu.memory_space<vmem>>
        %dma_wait3A_156 = tpu.memref_squeeze %dma_wait3A_155 : memref<1x125xi32, #tpu.memory_space<vmem>> -> memref<125xi32, #tpu.memory_space<vmem>>
        %dma_wait3A_157 = arith.constant 0 : i32
        %dma_wait3A_158 = arith.constant 0 : i32
        %dma_wait3A_159 = tpu.memref_slice %arg13[%dma_wait3A_157, %dma_wait3A_158] : memref<10240x48xf32, #tpu.memory_space<vmem_shared>> -> memref<10240x48xf32, #tpu.memory_space<vmem_shared>>
        tpu.wait_indirect_dma semaphore(%arg20 : memref<!tpu.dma_semaphore, #tpu.memory_space<semaphore_mem>>) src(%arg10 : memref<125x48xf32, #tpu.memory_space<vmem>>) dst(%dma_wait3A_159 : memref<10240x48xf32, #tpu.memory_space<vmem_shared>>)
      } else {
      }
      %add3A_75 = arith.constant 2 : i32
      %add3A_76 = arith.addi %mul3A_60, %add3A_75 : i32
      %dma_start3A_77 = arith.constant 0 : i32
      %dma_start3A_78 = tpu.memref_slice %arg6[%add3A_76, %dma_start3A_77] : memref<80x125xi32, #tpu.memory_space<vmem>> -> memref<1x125xi32, #tpu.memory_space<vmem>>
      %dma_start3A_79 = tpu.memref_squeeze %dma_start3A_78 : memref<1x125xi32, #tpu.memory_space<vmem>> -> memref<125xi32, #tpu.memory_space<vmem>>
      %dma_start3A_80 = arith.constant 0 : i32
      %dma_start3A_81 = arith.constant 0 : i32
      %dma_start3A_82 = tpu.memref_slice %arg12[%dma_start3A_80, %dma_start3A_81] : memref<10240x48xf32, #tpu.memory_space<vmem_shared>> -> memref<10240x48xf32, #tpu.memory_space<vmem_shared>>
      tpu.enqueue_indirect_dma source(%dma_start3A_82 : memref<10240x48xf32, #tpu.memory_space<vmem_shared>>) target(%arg10 : memref<125x48xf32, #tpu.memory_space<vmem>>) offsets(%dma_start3A_79 : memref<125xi32, #tpu.memory_space<vmem>>) semaphore(%arg16 : memref<!tpu.dma_semaphore, #tpu.memory_space<semaphore_mem>>)
      %add3A_83 = arith.constant 1 : i32
      %add3A_84 = arith.addi %mul3A_60, %add3A_83 : i32
      %dma_wait3A_85 = arith.constant 0 : i32
      %dma_wait3A_86 = tpu.memref_slice %arg6[%add3A_84, %dma_wait3A_85] : memref<80x125xi32, #tpu.memory_space<vmem>> -> memref<1x125xi32, #tpu.memory_space<vmem>>
      %dma_wait3A_87 = tpu.memref_squeeze %dma_wait3A_86 : memref<1x125xi32, #tpu.memory_space<vmem>> -> memref<125xi32, #tpu.memory_space<vmem>>
      %dma_wait3A_88 = arith.constant 0 : i32
      %dma_wait3A_89 = arith.constant 0 : i32
      %dma_wait3A_90 = tpu.memref_slice %arg12[%dma_wait3A_88, %dma_wait3A_89] : memref<10240x48xf32, #tpu.memory_space<vmem_shared>> -> memref<10240x48xf32, #tpu.memory_space<vmem_shared>>
      tpu.wait_indirect_dma semaphore(%arg15 : memref<!tpu.dma_semaphore, #tpu.memory_space<semaphore_mem>>) src(%dma_wait3A_90 : memref<10240x48xf32, #tpu.memory_space<vmem_shared>>) dst(%arg9 : memref<125x48xf32, #tpu.memory_space<vmem>>)
      %add3A_91 = arith.constant 1 : i32
      %add3A_92 = arith.addi %mul3A_60, %add3A_91 : i32
      %dma_start3A_93 = arith.constant 0 : i32
      %dma_start3A_94 = tpu.memref_slice %arg7[%add3A_92, %dma_start3A_93] : memref<80x125xi32, #tpu.memory_space<vmem>> -> memref<1x125xi32, #tpu.memory_space<vmem>>
      %dma_start3A_95 = tpu.memref_squeeze %dma_start3A_94 : memref<1x125xi32, #tpu.memory_space<vmem>> -> memref<125xi32, #tpu.memory_space<vmem>>
      %dma_start3A_96 = arith.constant 0 : i32
      %dma_start3A_97 = arith.constant 0 : i32
      %dma_start3A_98 = tpu.memref_slice %arg13[%dma_start3A_96, %dma_start3A_97] : memref<10240x48xf32, #tpu.memory_space<vmem_shared>> -> memref<10240x48xf32, #tpu.memory_space<vmem_shared>>
      tpu.enqueue_indirect_dma source(%arg9 : memref<125x48xf32, #tpu.memory_space<vmem>>) target(%dma_start3A_98 : memref<10240x48xf32, #tpu.memory_space<vmem_shared>>) offsets(%dma_start3A_95 : memref<125xi32, #tpu.memory_space<vmem>>) semaphore(%arg19 : memref<!tpu.dma_semaphore, #tpu.memory_space<semaphore_mem>>) {add = true}
      %gt3A_99 = arith.constant 0 : i32
      %gt3A_100 = arith.cmpi sgt, %scan3A_58, %gt3A_99 : i32
      %convert_element_type3A_101 = arith.extui %gt3A_100 : i1 to i32
      %cond3A_102 = arith.constant 0 : i32
      %cond3A_103 = arith.cmpi ne, %convert_element_type3A_101, %cond3A_102 : i32
      scf.if %cond3A_103 {
        %sub3A = arith.constant 1 : i32
        %sub3A_153 = arith.subi %mul3A_60, %sub3A : i32
        %dma_wait3A_154 = arith.constant 0 : i32
        %dma_wait3A_155 = tpu.memref_slice %arg7[%sub3A_153, %dma_wait3A_154] : memref<80x125xi32, #tpu.memory_space<vmem>> -> memref<1x125xi32, #tpu.memory_space<vmem>>
        %dma_wait3A_156 = tpu.memref_squeeze %dma_wait3A_155 : memref<1x125xi32, #tpu.memory_space<vmem>> -> memref<125xi32, #tpu.memory_space<vmem>>
        %dma_wait3A_157 = arith.constant 0 : i32
        %dma_wait3A_158 = arith.constant 0 : i32
        %dma_wait3A_159 = tpu.memref_slice %arg13[%dma_wait3A_157, %dma_wait3A_158] : memref<10240x48xf32, #tpu.memory_space<vmem_shared>> -> memref<10240x48xf32, #tpu.memory_space<vmem_shared>>
        tpu.wait_indirect_dma semaphore(%arg21 : memref<!tpu.dma_semaphore, #tpu.memory_space<semaphore_mem>>) src(%arg11 : memref<125x48xf32, #tpu.memory_space<vmem>>) dst(%dma_wait3A_159 : memref<10240x48xf32, #tpu.memory_space<vmem_shared>>)
      } else {
      }
      %add3A_104 = arith.constant 3 : i32
      %add3A_105 = arith.addi %mul3A_60, %add3A_104 : i32
      %dma_start3A_106 = arith.constant 0 : i32
      %dma_start3A_107 = tpu.memref_slice %arg6[%add3A_105, %dma_start3A_106] : memref<80x125xi32, #tpu.memory_space<vmem>> -> memref<1x125xi32, #tpu.memory_space<vmem>>
      %dma_start3A_108 = tpu.memref_squeeze %dma_start3A_107 : memref<1x125xi32, #tpu.memory_space<vmem>> -> memref<125xi32, #tpu.memory_space<vmem>>
      %dma_start3A_109 = arith.constant 0 : i32
      %dma_start3A_110 = arith.constant 0 : i32
      %dma_start3A_111 = tpu.memref_slice %arg12[%dma_start3A_109, %dma_start3A_110] : memref<10240x48xf32, #tpu.memory_space<vmem_shared>> -> memref<10240x48xf32, #tpu.memory_space<vmem_shared>>
      tpu.enqueue_indirect_dma source(%dma_start3A_111 : memref<10240x48xf32, #tpu.memory_space<vmem_shared>>) target(%arg11 : memref<125x48xf32, #tpu.memory_space<vmem>>) offsets(%dma_start3A_108 : memref<125xi32, #tpu.memory_space<vmem>>) semaphore(%arg17 : memref<!tpu.dma_semaphore, #tpu.memory_space<semaphore_mem>>)
      %add3A_112 = arith.constant 2 : i32
      %add3A_113 = arith.addi %mul3A_60, %add3A_112 : i32
      %dma_wait3A_114 = arith.constant 0 : i32
      %dma_wait3A_115 = tpu.memref_slice %arg6[%add3A_113, %dma_wait3A_114] : memref<80x125xi32, #tpu.memory_space<vmem>> -> memref<1x125xi32, #tpu.memory_space<vmem>>
      %dma_wait3A_116 = tpu.memref_squeeze %dma_wait3A_115 : memref<1x125xi32, #tpu.memory_space<vmem>> -> memref<125xi32, #tpu.memory_space<vmem>>
      %dma_wait3A_117 = arith.constant 0 : i32
      %dma_wait3A_118 = arith.constant 0 : i32
      %dma_wait3A_119 = tpu.memref_slice %arg12[%dma_wait3A_117, %dma_wait3A_118] : memref<10240x48xf32, #tpu.memory_space<vmem_shared>> -> memref<10240x48xf32, #tpu.memory_space<vmem_shared>>
      tpu.wait_indirect_dma semaphore(%arg16 : memref<!tpu.dma_semaphore, #tpu.memory_space<semaphore_mem>>) src(%dma_wait3A_119 : memref<10240x48xf32, #tpu.memory_space<vmem_shared>>) dst(%arg10 : memref<125x48xf32, #tpu.memory_space<vmem>>)
      %add3A_120 = arith.constant 2 : i32
      %add3A_121 = arith.addi %mul3A_60, %add3A_120 : i32
      %dma_start3A_122 = arith.constant 0 : i32
      %dma_start3A_123 = tpu.memref_slice %arg7[%add3A_121, %dma_start3A_122] : memref<80x125xi32, #tpu.memory_space<vmem>> -> memref<1x125xi32, #tpu.memory_space<vmem>>
      %dma_start3A_124 = tpu.memref_squeeze %dma_start3A_123 : memref<1x125xi32, #tpu.memory_space<vmem>> -> memref<125xi32, #tpu.memory_space<vmem>>
      %dma_start3A_125 = arith.constant 0 : i32
      %dma_start3A_126 = arith.constant 0 : i32
      %dma_start3A_127 = tpu.memref_slice %arg13[%dma_start3A_125, %dma_start3A_126] : memref<10240x48xf32, #tpu.memory_space<vmem_shared>> -> memref<10240x48xf32, #tpu.memory_space<vmem_shared>>
      tpu.enqueue_indirect_dma source(%arg10 : memref<125x48xf32, #tpu.memory_space<vmem>>) target(%dma_start3A_127 : memref<10240x48xf32, #tpu.memory_space<vmem_shared>>) offsets(%dma_start3A_124 : memref<125xi32, #tpu.memory_space<vmem>>) semaphore(%arg20 : memref<!tpu.dma_semaphore, #tpu.memory_space<semaphore_mem>>) {add = true}
      %lt3A = arith.constant 19 : i32
      %lt3A_128 = arith.cmpi slt, %scan3A_58, %lt3A : i32
      %convert_element_type3A_129 = arith.extui %lt3A_128 : i1 to i32
      %cond3A_130 = arith.constant 0 : i32
      %cond3A_131 = arith.cmpi ne, %convert_element_type3A_129, %cond3A_130 : i32
      scf.if %cond3A_131 {
        %dma_wait3A_153 = arith.constant 0 : i32
        %dma_wait3A_154 = tpu.memref_slice %arg7[%mul3A_60, %dma_wait3A_153] : memref<80x125xi32, #tpu.memory_space<vmem>> -> memref<1x125xi32, #tpu.memory_space<vmem>>
        %dma_wait3A_155 = tpu.memref_squeeze %dma_wait3A_154 : memref<1x125xi32, #tpu.memory_space<vmem>> -> memref<125xi32, #tpu.memory_space<vmem>>
        %dma_wait3A_156 = arith.constant 0 : i32
        %dma_wait3A_157 = arith.constant 0 : i32
        %dma_wait3A_158 = tpu.memref_slice %arg13[%dma_wait3A_156, %dma_wait3A_157] : memref<10240x48xf32, #tpu.memory_space<vmem_shared>> -> memref<10240x48xf32, #tpu.memory_space<vmem_shared>>
        tpu.wait_indirect_dma semaphore(%arg18 : memref<!tpu.dma_semaphore, #tpu.memory_space<semaphore_mem>>) src(%arg8 : memref<125x48xf32, #tpu.memory_space<vmem>>) dst(%dma_wait3A_158 : memref<10240x48xf32, #tpu.memory_space<vmem_shared>>)
        %add3A_159 = arith.constant 4 : i32
        %add3A_160 = arith.addi %mul3A_60, %add3A_159 : i32
        %dma_start3A_161 = arith.constant 0 : i32
        %dma_start3A_162 = tpu.memref_slice %arg6[%add3A_160, %dma_start3A_161] : memref<80x125xi32, #tpu.memory_space<vmem>> -> memref<1x125xi32, #tpu.memory_space<vmem>>
        %dma_start3A_163 = tpu.memref_squeeze %dma_start3A_162 : memref<1x125xi32, #tpu.memory_space<vmem>> -> memref<125xi32, #tpu.memory_space<vmem>>
        %dma_start3A_164 = arith.constant 0 : i32
        %dma_start3A_165 = arith.constant 0 : i32
        %dma_start3A_166 = tpu.memref_slice %arg12[%dma_start3A_164, %dma_start3A_165] : memref<10240x48xf32, #tpu.memory_space<vmem_shared>> -> memref<10240x48xf32, #tpu.memory_space<vmem_shared>>
        tpu.enqueue_indirect_dma source(%dma_start3A_166 : memref<10240x48xf32, #tpu.memory_space<vmem_shared>>) target(%arg8 : memref<125x48xf32, #tpu.memory_space<vmem>>) offsets(%dma_start3A_163 : memref<125xi32, #tpu.memory_space<vmem>>) semaphore(%arg14 : memref<!tpu.dma_semaphore, #tpu.memory_space<semaphore_mem>>)
      } else {
      }
      %add3A_132 = arith.constant 3 : i32
      %add3A_133 = arith.addi %mul3A_60, %add3A_132 : i32
      %dma_wait3A_134 = arith.constant 0 : i32
      %dma_wait3A_135 = tpu.memref_slice %arg6[%add3A_133, %dma_wait3A_134] : memref<80x125xi32, #tpu.memory_space<vmem>> -> memref<1x125xi32, #tpu.memory_space<vmem>>
      %dma_wait3A_136 = tpu.memref_squeeze %dma_wait3A_135 : memref<1x125xi32, #tpu.memory_space<vmem>> -> memref<125xi32, #tpu.memory_space<vmem>>
      %dma_wait3A_137 = arith.constant 0 : i32
      %dma_wait3A_138 = arith.constant 0 : i32
      %dma_wait3A_139 = tpu.memref_slice %arg12[%dma_wait3A_137, %dma_wait3A_138] : memref<10240x48xf32, #tpu.memory_space<vmem_shared>> -> memref<10240x48xf32, #tpu.memory_space<vmem_shared>>
      tpu.wait_indirect_dma semaphore(%arg17 : memref<!tpu.dma_semaphore, #tpu.memory_space<semaphore_mem>>) src(%dma_wait3A_139 : memref<10240x48xf32, #tpu.memory_space<vmem_shared>>) dst(%arg11 : memref<125x48xf32, #tpu.memory_space<vmem>>)
      %add3A_140 = arith.constant 3 : i32
      %add3A_141 = arith.addi %mul3A_60, %add3A_140 : i32
      %dma_start3A_142 = arith.constant 0 : i32
      %dma_start3A_143 = tpu.memref_slice %arg7[%add3A_141, %dma_start3A_142] : memref<80x125xi32, #tpu.memory_space<vmem>> -> memref<1x125xi32, #tpu.memory_space<vmem>>
      %dma_start3A_144 = tpu.memref_squeeze %dma_start3A_143 : memref<1x125xi32, #tpu.memory_space<vmem>> -> memref<125xi32, #tpu.memory_space<vmem>>
      %dma_start3A_145 = arith.constant 0 : i32
      %dma_start3A_146 = arith.constant 0 : i32
      %dma_start3A_147 = tpu.memref_slice %arg13[%dma_start3A_145, %dma_start3A_146] : memref<10240x48xf32, #tpu.memory_space<vmem_shared>> -> memref<10240x48xf32, #tpu.memory_space<vmem_shared>>
      tpu.enqueue_indirect_dma source(%arg11 : memref<125x48xf32, #tpu.memory_space<vmem>>) target(%dma_start3A_147 : memref<10240x48xf32, #tpu.memory_space<vmem_shared>>) offsets(%dma_start3A_144 : memref<125xi32, #tpu.memory_space<vmem>>) semaphore(%arg21 : memref<!tpu.dma_semaphore, #tpu.memory_space<semaphore_mem>>) {add = true}
      %lt3A_148 = arith.constant 19 : i32
      %lt3A_149 = arith.cmpi slt, %scan3A_58, %lt3A_148 : i32
      %convert_element_type3A_150 = arith.extui %lt3A_149 : i1 to i32
      %cond3A_151 = arith.constant 0 : i32
      %cond3A_152 = arith.cmpi ne, %convert_element_type3A_150, %cond3A_151 : i32
      scf.if %cond3A_152 {
        %add3A_153 = arith.constant 1 : i32
        %add3A_154 = arith.addi %mul3A_60, %add3A_153 : i32
        %dma_wait3A_155 = arith.constant 0 : i32
        %dma_wait3A_156 = tpu.memref_slice %arg7[%add3A_154, %dma_wait3A_155] : memref<80x125xi32, #tpu.memory_space<vmem>> -> memref<1x125xi32, #tpu.memory_space<vmem>>
        %dma_wait3A_157 = tpu.memref_squeeze %dma_wait3A_156 : memref<1x125xi32, #tpu.memory_space<vmem>> -> memref<125xi32, #tpu.memory_space<vmem>>
        %dma_wait3A_158 = arith.constant 0 : i32
        %dma_wait3A_159 = arith.constant 0 : i32
        %dma_wait3A_160 = tpu.memref_slice %arg13[%dma_wait3A_158, %dma_wait3A_159] : memref<10240x48xf32, #tpu.memory_space<vmem_shared>> -> memref<10240x48xf32, #tpu.memory_space<vmem_shared>>
        tpu.wait_indirect_dma semaphore(%arg19 : memref<!tpu.dma_semaphore, #tpu.memory_space<semaphore_mem>>) src(%arg9 : memref<125x48xf32, #tpu.memory_space<vmem>>) dst(%dma_wait3A_160 : memref<10240x48xf32, #tpu.memory_space<vmem_shared>>)
        %add3A_161 = arith.constant 5 : i32
        %add3A_162 = arith.addi %mul3A_60, %add3A_161 : i32
        %dma_start3A_163 = arith.constant 0 : i32
        %dma_start3A_164 = tpu.memref_slice %arg6[%add3A_162, %dma_start3A_163] : memref<80x125xi32, #tpu.memory_space<vmem>> -> memref<1x125xi32, #tpu.memory_space<vmem>>
        %dma_start3A_165 = tpu.memref_squeeze %dma_start3A_164 : memref<1x125xi32, #tpu.memory_space<vmem>> -> memref<125xi32, #tpu.memory_space<vmem>>
        %dma_start3A_166 = arith.constant 0 : i32
        %dma_start3A_167 = arith.constant 0 : i32
        %dma_start3A_168 = tpu.memref_slice %arg12[%dma_start3A_166, %dma_start3A_167] : memref<10240x48xf32, #tpu.memory_space<vmem_shared>> -> memref<10240x48xf32, #tpu.memory_space<vmem_shared>>
        tpu.enqueue_indirect_dma source(%dma_start3A_168 : memref<10240x48xf32, #tpu.memory_space<vmem_shared>>) target(%arg9 : memref<125x48xf32, #tpu.memory_space<vmem>>) offsets(%dma_start3A_165 : memref<125xi32, #tpu.memory_space<vmem>>) semaphore(%arg15 : memref<!tpu.dma_semaphore, #tpu.memory_space<semaphore_mem>>)
      } else {
      }
    }
    %scan3A_28 = arith.constant 20 : i32
    %dma_wait3A = arith.constant 76 : i32
    %dma_wait3A_29 = arith.constant 0 : i32
    %dma_wait3A_30 = tpu.memref_slice %arg7[%dma_wait3A, %dma_wait3A_29] : memref<80x125xi32, #tpu.memory_space<vmem>> -> memref<1x125xi32, #tpu.memory_space<vmem>>
    %dma_wait3A_31 = tpu.memref_squeeze %dma_wait3A_30 : memref<1x125xi32, #tpu.memory_space<vmem>> -> memref<125xi32, #tpu.memory_space<vmem>>
    %dma_wait3A_32 = arith.constant 0 : i32
    %dma_wait3A_33 = arith.constant 0 : i32
    %dma_wait3A_34 = tpu.memref_slice %arg13[%dma_wait3A_32, %dma_wait3A_33] : memref<10240x48xf32, #tpu.memory_space<vmem_shared>> -> memref<10240x48xf32, #tpu.memory_space<vmem_shared>>
    tpu.wait_indirect_dma semaphore(%arg18 : memref<!tpu.dma_semaphore, #tpu.memory_space<semaphore_mem>>) src(%arg8 : memref<125x48xf32, #tpu.memory_space<vmem>>) dst(%dma_wait3A_34 : memref<10240x48xf32, #tpu.memory_space<vmem_shared>>)
    %dma_wait3A_35 = arith.constant 77 : i32
    %dma_wait3A_36 = arith.constant 0 : i32
    %dma_wait3A_37 = tpu.memref_slice %arg7[%dma_wait3A_35, %dma_wait3A_36] : memref<80x125xi32, #tpu.memory_space<vmem>> -> memref<1x125xi32, #tpu.memory_space<vmem>>
    %dma_wait3A_38 = tpu.memref_squeeze %dma_wait3A_37 : memref<1x125xi32, #tpu.memory_space<vmem>> -> memref<125xi32, #tpu.memory_space<vmem>>
    %dma_wait3A_39 = arith.constant 0 : i32
    %dma_wait3A_40 = arith.constant 0 : i32
    %dma_wait3A_41 = tpu.memref_slice %arg13[%dma_wait3A_39, %dma_wait3A_40] : memref<10240x48xf32, #tpu.memory_space<vmem_shared>> -> memref<10240x48xf32, #tpu.memory_space<vmem_shared>>
    tpu.wait_indirect_dma semaphore(%arg19 : memref<!tpu.dma_semaphore, #tpu.memory_space<semaphore_mem>>) src(%arg9 : memref<125x48xf32, #tpu.memory_space<vmem>>) dst(%dma_wait3A_41 : memref<10240x48xf32, #tpu.memory_space<vmem_shared>>)
    %dma_wait3A_42 = arith.constant 78 : i32
    %dma_wait3A_43 = arith.constant 0 : i32
    %dma_wait3A_44 = tpu.memref_slice %arg7[%dma_wait3A_42, %dma_wait3A_43] : memref<80x125xi32, #tpu.memory_space<vmem>> -> memref<1x125xi32, #tpu.memory_space<vmem>>
    %dma_wait3A_45 = tpu.memref_squeeze %dma_wait3A_44 : memref<1x125xi32, #tpu.memory_space<vmem>> -> memref<125xi32, #tpu.memory_space<vmem>>
    %dma_wait3A_46 = arith.constant 0 : i32
    %dma_wait3A_47 = arith.constant 0 : i32
    %dma_wait3A_48 = tpu.memref_slice %arg13[%dma_wait3A_46, %dma_wait3A_47] : memref<10240x48xf32, #tpu.memory_space<vmem_shared>> -> memref<10240x48xf32, #tpu.memory_space<vmem_shared>>
    tpu.wait_indirect_dma semaphore(%arg20 : memref<!tpu.dma_semaphore, #tpu.memory_space<semaphore_mem>>) src(%arg10 : memref<125x48xf32, #tpu.memory_space<vmem>>) dst(%dma_wait3A_48 : memref<10240x48xf32, #tpu.memory_space<vmem_shared>>)
    %dma_wait3A_49 = arith.constant 79 : i32
    %dma_wait3A_50 = arith.constant 0 : i32
    %dma_wait3A_51 = tpu.memref_slice %arg7[%dma_wait3A_49, %dma_wait3A_50] : memref<80x125xi32, #tpu.memory_space<vmem>> -> memref<1x125xi32, #tpu.memory_space<vmem>>
    %dma_wait3A_52 = tpu.memref_squeeze %dma_wait3A_51 : memref<1x125xi32, #tpu.memory_space<vmem>> -> memref<125xi32, #tpu.memory_space<vmem>>
    %dma_wait3A_53 = arith.constant 0 : i32
    %dma_wait3A_54 = arith.constant 0 : i32
    %dma_wait3A_55 = tpu.memref_slice %arg13[%dma_wait3A_53, %dma_wait3A_54] : memref<10240x48xf32, #tpu.memory_space<vmem_shared>> -> memref<10240x48xf32, #tpu.memory_space<vmem_shared>>
    tpu.wait_indirect_dma semaphore(%arg21 : memref<!tpu.dma_semaphore, #tpu.memory_space<semaphore_mem>>) src(%arg11 : memref<125x48xf32, #tpu.memory_space<vmem>>) dst(%dma_wait3A_55 : memref<10240x48xf32, #tpu.memory_space<vmem_shared>>)
    %scan3A_56 = arith.constant 1 : i32
    %barrier3A_57 = arith.constant 0 : index
    tpu.barrier barrier_id(%barrier3A_57)
    "tpu.region"() ({
      %run_scoped3A_58 = tpu.sem_alloc : memref<!tpu.dma_semaphore, #tpu.memory_space<semaphore_mem>>
      %dma_start3A_59 = arith.constant 0 : i32
      %dma_start3A_60 = tpu.memref_slice %arg5[%arg0, %mul3A_2, %dma_start3A_59] : memref<2x10240x128xf32, #tpu.memory_space<hbm>> -> memref<1x640x48xf32, #tpu.memory_space<hbm>>
      %dma_start3A_61 = tpu.memref_squeeze %dma_start3A_60 : memref<1x640x48xf32, #tpu.memory_space<hbm>> -> memref<640x48xf32, #tpu.memory_space<hbm>>
      %dma_start3A_62 = arith.constant 0 : i32
      %dma_start3A_63 = tpu.memref_slice %arg13[%mul3A_2, %dma_start3A_62] : memref<10240x48xf32, #tpu.memory_space<vmem_shared>> -> memref<640x48xf32, #tpu.memory_space<vmem_shared>>
      tpu.enqueue_dma source(%dma_start3A_63 : memref<640x48xf32, #tpu.memory_space<vmem_shared>>) target(%dma_start3A_61 : memref<640x48xf32, #tpu.memory_space<hbm>>) target_semaphore(%run_scoped3A_58 : memref<!tpu.dma_semaphore, #tpu.memory_space<semaphore_mem>>)
      %dma_wait3A_64 = arith.constant 0 : i32
      %dma_wait3A_65 = tpu.memref_slice %arg5[%arg0, %mul3A_2, %dma_wait3A_64] : memref<2x10240x128xf32, #tpu.memory_space<hbm>> -> memref<1x640x48xf32, #tpu.memory_space<hbm>>
      %dma_wait3A_66 = tpu.memref_squeeze %dma_wait3A_65 : memref<1x640x48xf32, #tpu.memory_space<hbm>> -> memref<640x48xf32, #tpu.memory_space<hbm>>
      %dma_wait3A_67 = arith.constant 0 : i32
      %dma_wait3A_68 = tpu.memref_slice %arg13[%mul3A_2, %dma_wait3A_67] : memref<10240x48xf32, #tpu.memory_space<vmem_shared>> -> memref<640x48xf32, #tpu.memory_space<vmem_shared>>
      tpu.wait_dma2 semaphore(%run_scoped3A_58 : memref<!tpu.dma_semaphore, #tpu.memory_space<semaphore_mem>>) src(%dma_wait3A_68 : memref<640x48xf32, #tpu.memory_space<vmem_shared>>) dst(%dma_wait3A_66 : memref<640x48xf32, #tpu.memory_space<hbm>>)
      tpu.yield
    }) : () -> ()
    return
  }
}

#map = affine_map<(d0, d1) -> (0, 0, 0)>
#map1 = affine_map<(d0, d1) -> (0)>
#map2 = affine_map<(d0, d1) -> (0, 0)>
module attributes {stable_mosaic.version = 14 : i64} {
  func.func @_deg_body(%arg0: i32, %arg1: i32, %arg2: memref<2x2560x125xi32, #tpu.memory_space<hbm>>, %arg3: memref<640xf32, #tpu.memory_space<hbm>>, %arg4: memref<125xf32, #tpu.memory_space<hbm>>, %arg5: memref<2x10240xf32, #tpu.memory_space<hbm>>, %arg6: memref<80x125xi32, #tpu.memory_space<vmem>>, %arg7: memref<125xf32, #tpu.memory_space<vmem>>, %arg8: memref<10240xf32, #tpu.memory_space<vmem_shared>>) attributes {dimension_semantics = [#tpu.dimension_semantics<core_parallel>, #tpu.dimension_semantics<subcore_parallel>], iteration_bounds = array<i64: 2, 16>, scalar_prefetch = 0 : i64, scratch_operands = 3 : i64, tpu.core_type = #tpu.core_type<sc_vector_subcore>, window_params = [{transform_indices = #map}, {transform_indices = #map1}, {transform_indices = #map1}, {transform_indices = #map2}]} {
    %mul3A = arith.constant 2 : i32
    %mul3A_0 = arith.muli %arg1, %mul3A : i32
    %add3A = arith.addi %mul3A_0, %arg0 : i32
    %mul3A_1 = arith.constant 80 : i32
    %mul3A_2 = arith.muli %add3A, %mul3A_1 : i32
    %run_scoped3A = arith.constant 1 : i32
    "tpu.region"() ({
      %run_scoped3A_15 = tpu.sem_alloc : memref<!tpu.dma_semaphore, #tpu.memory_space<semaphore_mem>>
      %dma_start3A = arith.constant 0 : i32
      %dma_start3A_16 = tpu.memref_slice %arg2[%run_scoped3A, %mul3A_2, %dma_start3A] : memref<2x2560x125xi32, #tpu.memory_space<hbm>> -> memref<1x80x125xi32, #tpu.memory_space<hbm>>
      %dma_start3A_17 = tpu.memref_squeeze %dma_start3A_16 : memref<1x80x125xi32, #tpu.memory_space<hbm>> -> memref<80x125xi32, #tpu.memory_space<hbm>>
      %dma_start3A_18 = arith.constant 0 : i32
      %dma_start3A_19 = tpu.memref_slice %arg2[%run_scoped3A, %mul3A_2, %dma_start3A_18] : memref<2x2560x125xi32, #tpu.memory_space<hbm>> -> memref<1x80x125xi32, #tpu.memory_space<hbm>>
      %dma_start3A_20 = tpu.memref_squeeze %dma_start3A_19 : memref<1x80x125xi32, #tpu.memory_space<hbm>> -> memref<80x125xi32, #tpu.memory_space<hbm>>
      tpu.enqueue_dma source(%dma_start3A_20 : memref<80x125xi32, #tpu.memory_space<hbm>>) target(%arg6 : memref<80x125xi32, #tpu.memory_space<vmem>>) target_semaphore(%run_scoped3A_15 : memref<!tpu.dma_semaphore, #tpu.memory_space<semaphore_mem>>)
      %dma_wait3A = arith.constant 0 : i32
      %dma_wait3A_21 = tpu.memref_slice %arg2[%run_scoped3A, %mul3A_2, %dma_wait3A] : memref<2x2560x125xi32, #tpu.memory_space<hbm>> -> memref<1x80x125xi32, #tpu.memory_space<hbm>>
      %dma_wait3A_22 = tpu.memref_squeeze %dma_wait3A_21 : memref<1x80x125xi32, #tpu.memory_space<hbm>> -> memref<80x125xi32, #tpu.memory_space<hbm>>
      %dma_wait3A_23 = arith.constant 0 : i32
      %dma_wait3A_24 = tpu.memref_slice %arg2[%run_scoped3A, %mul3A_2, %dma_wait3A_23] : memref<2x2560x125xi32, #tpu.memory_space<hbm>> -> memref<1x80x125xi32, #tpu.memory_space<hbm>>
      %dma_wait3A_25 = tpu.memref_squeeze %dma_wait3A_24 : memref<1x80x125xi32, #tpu.memory_space<hbm>> -> memref<80x125xi32, #tpu.memory_space<hbm>>
      tpu.wait_dma2 semaphore(%run_scoped3A_15 : memref<!tpu.dma_semaphore, #tpu.memory_space<semaphore_mem>>) src(%dma_wait3A_25 : memref<80x125xi32, #tpu.memory_space<hbm>>) dst(%arg6 : memref<80x125xi32, #tpu.memory_space<vmem>>)
      tpu.yield
    }) : () -> ()
    "tpu.region"() ({
      %run_scoped3A_15 = tpu.sem_alloc : memref<!tpu.dma_semaphore, #tpu.memory_space<semaphore_mem>>
      tpu.enqueue_dma source(%arg4 : memref<125xf32, #tpu.memory_space<hbm>>) target(%arg7 : memref<125xf32, #tpu.memory_space<vmem>>) target_semaphore(%run_scoped3A_15 : memref<!tpu.dma_semaphore, #tpu.memory_space<semaphore_mem>>)
      tpu.wait_dma2 semaphore(%run_scoped3A_15 : memref<!tpu.dma_semaphore, #tpu.memory_space<semaphore_mem>>) src(%arg4 : memref<125xf32, #tpu.memory_space<hbm>>) dst(%arg7 : memref<125xf32, #tpu.memory_space<vmem>>)
      tpu.yield
    }) : () -> ()
    %mul3A_3 = arith.constant 640 : i32
    %mul3A_4 = arith.muli %arg1, %mul3A_3 : i32
    "tpu.region"() ({
      %run_scoped3A_15 = tpu.sem_alloc : memref<!tpu.dma_semaphore, #tpu.memory_space<semaphore_mem>>
      %dma_start3A = tpu.memref_slice %arg8[%mul3A_4] : memref<10240xf32, #tpu.memory_space<vmem_shared>> -> memref<640xf32, #tpu.memory_space<vmem_shared>>
      tpu.enqueue_dma source(%arg3 : memref<640xf32, #tpu.memory_space<hbm>>) target(%dma_start3A : memref<640xf32, #tpu.memory_space<vmem_shared>>) target_semaphore(%run_scoped3A_15 : memref<!tpu.dma_semaphore, #tpu.memory_space<semaphore_mem>>)
      %dma_wait3A = tpu.memref_slice %arg8[%mul3A_4] : memref<10240xf32, #tpu.memory_space<vmem_shared>> -> memref<640xf32, #tpu.memory_space<vmem_shared>>
      tpu.wait_dma2 semaphore(%run_scoped3A_15 : memref<!tpu.dma_semaphore, #tpu.memory_space<semaphore_mem>>) src(%arg3 : memref<640xf32, #tpu.memory_space<hbm>>) dst(%dma_wait3A : memref<640xf32, #tpu.memory_space<vmem_shared>>)
      tpu.yield
    }) : () -> ()
    %barrier3A = arith.constant 0 : index
    tpu.barrier barrier_id(%barrier3A)
    %scan3A = arith.constant 0 : i32
    %scan3A_5 = arith.constant 0 : i32
    %scan3A_6 = arith.constant 80 : i32
    %scan3A_7 = arith.addi %scan3A_5, %scan3A_6 : i32
    %scan3A_8 = arith.constant 1 : i32
    scf.for %scan3A_15 = %scan3A_5 to %scan3A_7 step %scan3A_8  : i32 {
      "tpu.region"() ({
        %run_scoped3A_16 = tpu.sem_alloc : memref<!tpu.dma_semaphore, #tpu.memory_space<semaphore_mem>>
        %dma_start3A = arith.constant 0 : i32
        %dma_start3A_17 = tpu.memref_slice %arg6[%scan3A_15, %dma_start3A] : memref<80x125xi32, #tpu.memory_space<vmem>> -> memref<1x125xi32, #tpu.memory_space<vmem>>
        %dma_start3A_18 = tpu.memref_squeeze %dma_start3A_17 : memref<1x125xi32, #tpu.memory_space<vmem>> -> memref<125xi32, #tpu.memory_space<vmem>>
        %dma_start3A_19 = arith.constant 0 : i32
        %dma_start3A_20 = tpu.memref_slice %arg8[%dma_start3A_19] : memref<10240xf32, #tpu.memory_space<vmem_shared>> -> memref<10240xf32, #tpu.memory_space<vmem_shared>>
        tpu.enqueue_indirect_dma source(%arg7 : memref<125xf32, #tpu.memory_space<vmem>>) target(%dma_start3A_20 : memref<10240xf32, #tpu.memory_space<vmem_shared>>) offsets(%dma_start3A_18 : memref<125xi32, #tpu.memory_space<vmem>>) semaphore(%run_scoped3A_16 : memref<!tpu.dma_semaphore, #tpu.memory_space<semaphore_mem>>) {add = true}
        %dma_wait3A = arith.constant 0 : i32
        %dma_wait3A_21 = tpu.memref_slice %arg6[%scan3A_15, %dma_wait3A] : memref<80x125xi32, #tpu.memory_space<vmem>> -> memref<1x125xi32, #tpu.memory_space<vmem>>
        %dma_wait3A_22 = tpu.memref_squeeze %dma_wait3A_21 : memref<1x125xi32, #tpu.memory_space<vmem>> -> memref<125xi32, #tpu.memory_space<vmem>>
        %dma_wait3A_23 = arith.constant 0 : i32
        %dma_wait3A_24 = tpu.memref_slice %arg8[%dma_wait3A_23] : memref<10240xf32, #tpu.memory_space<vmem_shared>> -> memref<10240xf32, #tpu.memory_space<vmem_shared>>
        tpu.wait_indirect_dma semaphore(%run_scoped3A_16 : memref<!tpu.dma_semaphore, #tpu.memory_space<semaphore_mem>>) src(%arg7 : memref<125xf32, #tpu.memory_space<vmem>>) dst(%dma_wait3A_24 : memref<10240xf32, #tpu.memory_space<vmem_shared>>)
        tpu.yield
      }) : () -> ()
    }
    %scan3A_9 = arith.constant 80 : i32
    %barrier3A_10 = arith.constant 0 : index
    tpu.barrier barrier_id(%barrier3A_10)
    %mul3A_11 = arith.constant 640 : i32
    %mul3A_12 = arith.muli %arg1, %mul3A_11 : i32
    %mul3A_13 = arith.constant 640 : i32
    %mul3A_14 = arith.muli %arg1, %mul3A_13 : i32
    "tpu.region"() ({
      %run_scoped3A_15 = tpu.sem_alloc : memref<!tpu.dma_semaphore, #tpu.memory_space<semaphore_mem>>
      %dma_start3A = tpu.memref_slice %arg5[%arg0, %mul3A_14] : memref<2x10240xf32, #tpu.memory_space<hbm>> -> memref<1x640xf32, #tpu.memory_space<hbm>>
      %dma_start3A_16 = tpu.memref_squeeze %dma_start3A : memref<1x640xf32, #tpu.memory_space<hbm>> -> memref<640xf32, #tpu.memory_space<hbm>>
      %dma_start3A_17 = tpu.memref_slice %arg8[%mul3A_12] : memref<10240xf32, #tpu.memory_space<vmem_shared>> -> memref<640xf32, #tpu.memory_space<vmem_shared>>
      tpu.enqueue_dma source(%dma_start3A_17 : memref<640xf32, #tpu.memory_space<vmem_shared>>) target(%dma_start3A_16 : memref<640xf32, #tpu.memory_space<hbm>>) target_semaphore(%run_scoped3A_15 : memref<!tpu.dma_semaphore, #tpu.memory_space<semaphore_mem>>)
      %dma_wait3A = tpu.memref_slice %arg5[%arg0, %mul3A_14] : memref<2x10240xf32, #tpu.memory_space<hbm>> -> memref<1x640xf32, #tpu.memory_space<hbm>>
      %dma_wait3A_18 = tpu.memref_squeeze %dma_wait3A : memref<1x640xf32, #tpu.memory_space<hbm>> -> memref<640xf32, #tpu.memory_space<hbm>>
      %dma_wait3A_19 = tpu.memref_slice %arg8[%mul3A_12] : memref<10240xf32, #tpu.memory_space<vmem_shared>> -> memref<640xf32, #tpu.memory_space<vmem_shared>>
      tpu.wait_dma2 semaphore(%run_scoped3A_15 : memref<!tpu.dma_semaphore, #tpu.memory_space<semaphore_mem>>) src(%dma_wait3A_19 : memref<640xf32, #tpu.memory_space<vmem_shared>>) dst(%dma_wait3A_18 : memref<640xf32, #tpu.memory_space<hbm>>)
      tpu.yield
    }) : () -> ()
    return
  }
}

#map = affine_map<(d0, d1) -> (0, 0)>
#map1 = affine_map<(d0, d1) -> (0, 0, 0)>
module attributes {stable_mosaic.version = 14 : i64} {
  func.func @body(%arg0: i32, %arg1: i32, %arg2: memref<10240x128xf32, #tpu.memory_space<hbm>>, %arg3: memref<2x2560x125xi32, #tpu.memory_space<hbm>>, %arg4: memref<640x64xf32, #tpu.memory_space<hbm>>, %arg5: memref<2x10240x128xf32, #tpu.memory_space<hbm>>, %arg6: memref<40x125xi32, #tpu.memory_space<vmem>>, %arg7: memref<40x125xi32, #tpu.memory_space<vmem>>, %arg8: memref<125x64xf32, #tpu.memory_space<vmem>>, %arg9: memref<125x64xf32, #tpu.memory_space<vmem>>, %arg10: memref<125x64xf32, #tpu.memory_space<vmem>>, %arg11: memref<125x64xf32, #tpu.memory_space<vmem>>, %arg12: memref<10240x64xf32, #tpu.memory_space<vmem_shared>>, %arg13: memref<10240x64xf32, #tpu.memory_space<vmem_shared>>, %arg14: memref<!tpu.dma_semaphore, #tpu.memory_space<semaphore_mem>>, %arg15: memref<!tpu.dma_semaphore, #tpu.memory_space<semaphore_mem>>, %arg16: memref<!tpu.dma_semaphore, #tpu.memory_space<semaphore_mem>>, %arg17: memref<!tpu.dma_semaphore, #tpu.memory_space<semaphore_mem>>, %arg18: memref<!tpu.dma_semaphore, #tpu.memory_space<semaphore_mem>>, %arg19: memref<!tpu.dma_semaphore, #tpu.memory_space<semaphore_mem>>, %arg20: memref<!tpu.dma_semaphore, #tpu.memory_space<semaphore_mem>>, %arg21: memref<!tpu.dma_semaphore, #tpu.memory_space<semaphore_mem>>) attributes {dimension_semantics = [#tpu.dimension_semantics<core_parallel>, #tpu.dimension_semantics<subcore_parallel>], iteration_bounds = array<i64: 2, 16>, scalar_prefetch = 0 : i64, scratch_operands = 16 : i64, tpu.core_type = #tpu.core_type<sc_vector_subcore>, window_params = [{transform_indices = #map}, {transform_indices = #map1}, {transform_indices = #map}, {transform_indices = #map1}]} {
    %mul3A = arith.constant 2 : i32
    %mul3A_0 = arith.muli %arg1, %mul3A : i32
    %add3A = arith.addi %mul3A_0, %arg0 : i32
    %mul3A_1 = arith.constant 640 : i32
    %mul3A_2 = arith.muli %arg1, %mul3A_1 : i32
    "tpu.region"() ({
      %run_scoped3A = tpu.sem_alloc : memref<!tpu.dma_semaphore, #tpu.memory_space<semaphore_mem>>
      %dma_start3A = arith.constant 0 : i32
      %dma_start3A_17 = tpu.memref_slice %arg12[%mul3A_2, %dma_start3A] : memref<10240x64xf32, #tpu.memory_space<vmem_shared>> -> memref<640x64xf32, #tpu.memory_space<vmem_shared>>
      %dma_start3A_18 = arith.constant 0 : i32
      %dma_start3A_19 = tpu.memref_slice %arg2[%mul3A_2, %dma_start3A_18] : memref<10240x128xf32, #tpu.memory_space<hbm>> -> memref<640x64xf32, #tpu.memory_space<hbm>>
      tpu.enqueue_dma source(%dma_start3A_19 : memref<640x64xf32, #tpu.memory_space<hbm>>) target(%dma_start3A_17 : memref<640x64xf32, #tpu.memory_space<vmem_shared>>) target_semaphore(%run_scoped3A : memref<!tpu.dma_semaphore, #tpu.memory_space<semaphore_mem>>)
      %dma_wait3A = arith.constant 0 : i32
      %dma_wait3A_20 = tpu.memref_slice %arg12[%mul3A_2, %dma_wait3A] : memref<10240x64xf32, #tpu.memory_space<vmem_shared>> -> memref<640x64xf32, #tpu.memory_space<vmem_shared>>
      %dma_wait3A_21 = arith.constant 0 : i32
      %dma_wait3A_22 = tpu.memref_slice %arg2[%mul3A_2, %dma_wait3A_21] : memref<10240x128xf32, #tpu.memory_space<hbm>> -> memref<640x64xf32, #tpu.memory_space<hbm>>
      tpu.wait_dma2 semaphore(%run_scoped3A : memref<!tpu.dma_semaphore, #tpu.memory_space<semaphore_mem>>) src(%dma_wait3A_22 : memref<640x64xf32, #tpu.memory_space<hbm>>) dst(%dma_wait3A_20 : memref<640x64xf32, #tpu.memory_space<vmem_shared>>)
      tpu.yield
    }) : () -> ()
    "tpu.region"() ({
      %run_scoped3A = tpu.sem_alloc : memref<!tpu.dma_semaphore, #tpu.memory_space<semaphore_mem>>
      %dma_start3A = arith.constant 0 : i32
      %dma_start3A_17 = tpu.memref_slice %arg13[%mul3A_2, %dma_start3A] : memref<10240x64xf32, #tpu.memory_space<vmem_shared>> -> memref<640x64xf32, #tpu.memory_space<vmem_shared>>
      tpu.enqueue_dma source(%arg4 : memref<640x64xf32, #tpu.memory_space<hbm>>) target(%dma_start3A_17 : memref<640x64xf32, #tpu.memory_space<vmem_shared>>) target_semaphore(%run_scoped3A : memref<!tpu.dma_semaphore, #tpu.memory_space<semaphore_mem>>)
      %dma_wait3A = arith.constant 0 : i32
      %dma_wait3A_18 = tpu.memref_slice %arg13[%mul3A_2, %dma_wait3A] : memref<10240x64xf32, #tpu.memory_space<vmem_shared>> -> memref<640x64xf32, #tpu.memory_space<vmem_shared>>
      tpu.wait_dma2 semaphore(%run_scoped3A : memref<!tpu.dma_semaphore, #tpu.memory_space<semaphore_mem>>) src(%arg4 : memref<640x64xf32, #tpu.memory_space<hbm>>) dst(%dma_wait3A_18 : memref<640x64xf32, #tpu.memory_space<vmem_shared>>)
      tpu.yield
    }) : () -> ()
    %barrier3A = arith.constant 0 : index
    tpu.barrier barrier_id(%barrier3A)
    %scan3A = arith.constant 0 : i32
    %scan3A_3 = arith.constant 0 : i32
    %scan3A_4 = arith.constant 2 : i32
    %scan3A_5 = arith.addi %scan3A_3, %scan3A_4 : i32
    %scan3A_6 = arith.constant 1 : i32
    scf.for %scan3A_17 = %scan3A_3 to %scan3A_5 step %scan3A_6  : i32 {
      %mul3A_18 = arith.constant 80 : i32
      %mul3A_19 = arith.muli %add3A, %mul3A_18 : i32
      %mul3A_20 = arith.constant 40 : i32
      %mul3A_21 = arith.muli %scan3A_17, %mul3A_20 : i32
      %add3A_22 = arith.addi %mul3A_19, %mul3A_21 : i32
      %run_scoped3A = arith.constant 0 : i32
      "tpu.region"() ({
        %run_scoped3A_70 = tpu.sem_alloc : memref<!tpu.dma_semaphore, #tpu.memory_space<semaphore_mem>>
        %dma_start3A_71 = arith.constant 0 : i32
        %dma_start3A_72 = tpu.memref_slice %arg3[%run_scoped3A, %add3A_22, %dma_start3A_71] : memref<2x2560x125xi32, #tpu.memory_space<hbm>> -> memref<1x40x125xi32, #tpu.memory_space<hbm>>
        %dma_start3A_73 = tpu.memref_squeeze %dma_start3A_72 : memref<1x40x125xi32, #tpu.memory_space<hbm>> -> memref<40x125xi32, #tpu.memory_space<hbm>>
        %dma_start3A_74 = arith.constant 0 : i32
        %dma_start3A_75 = tpu.memref_slice %arg3[%run_scoped3A, %add3A_22, %dma_start3A_74] : memref<2x2560x125xi32, #tpu.memory_space<hbm>> -> memref<1x40x125xi32, #tpu.memory_space<hbm>>
        %dma_start3A_76 = tpu.memref_squeeze %dma_start3A_75 : memref<1x40x125xi32, #tpu.memory_space<hbm>> -> memref<40x125xi32, #tpu.memory_space<hbm>>
        tpu.enqueue_dma source(%dma_start3A_76 : memref<40x125xi32, #tpu.memory_space<hbm>>) target(%arg6 : memref<40x125xi32, #tpu.memory_space<vmem>>) target_semaphore(%run_scoped3A_70 : memref<!tpu.dma_semaphore, #tpu.memory_space<semaphore_mem>>)
        %dma_wait3A_77 = arith.constant 0 : i32
        %dma_wait3A_78 = tpu.memref_slice %arg3[%run_scoped3A, %add3A_22, %dma_wait3A_77] : memref<2x2560x125xi32, #tpu.memory_space<hbm>> -> memref<1x40x125xi32, #tpu.memory_space<hbm>>
        %dma_wait3A_79 = tpu.memref_squeeze %dma_wait3A_78 : memref<1x40x125xi32, #tpu.memory_space<hbm>> -> memref<40x125xi32, #tpu.memory_space<hbm>>
        %dma_wait3A_80 = arith.constant 0 : i32
        %dma_wait3A_81 = tpu.memref_slice %arg3[%run_scoped3A, %add3A_22, %dma_wait3A_80] : memref<2x2560x125xi32, #tpu.memory_space<hbm>> -> memref<1x40x125xi32, #tpu.memory_space<hbm>>
        %dma_wait3A_82 = tpu.memref_squeeze %dma_wait3A_81 : memref<1x40x125xi32, #tpu.memory_space<hbm>> -> memref<40x125xi32, #tpu.memory_space<hbm>>
        tpu.wait_dma2 semaphore(%run_scoped3A_70 : memref<!tpu.dma_semaphore, #tpu.memory_space<semaphore_mem>>) src(%dma_wait3A_82 : memref<40x125xi32, #tpu.memory_space<hbm>>) dst(%arg6 : memref<40x125xi32, #tpu.memory_space<vmem>>)
        tpu.yield
      }) : () -> ()
      %run_scoped3A_23 = arith.constant 1 : i32
      "tpu.region"() ({
        %run_scoped3A_70 = tpu.sem_alloc : memref<!tpu.dma_semaphore, #tpu.memory_space<semaphore_mem>>
        %dma_start3A_71 = arith.constant 0 : i32
        %dma_start3A_72 = tpu.memref_slice %arg3[%run_scoped3A_23, %add3A_22, %dma_start3A_71] : memref<2x2560x125xi32, #tpu.memory_space<hbm>> -> memref<1x40x125xi32, #tpu.memory_space<hbm>>
        %dma_start3A_73 = tpu.memref_squeeze %dma_start3A_72 : memref<1x40x125xi32, #tpu.memory_space<hbm>> -> memref<40x125xi32, #tpu.memory_space<hbm>>
        %dma_start3A_74 = arith.constant 0 : i32
        %dma_start3A_75 = tpu.memref_slice %arg3[%run_scoped3A_23, %add3A_22, %dma_start3A_74] : memref<2x2560x125xi32, #tpu.memory_space<hbm>> -> memref<1x40x125xi32, #tpu.memory_space<hbm>>
        %dma_start3A_76 = tpu.memref_squeeze %dma_start3A_75 : memref<1x40x125xi32, #tpu.memory_space<hbm>> -> memref<40x125xi32, #tpu.memory_space<hbm>>
        tpu.enqueue_dma source(%dma_start3A_76 : memref<40x125xi32, #tpu.memory_space<hbm>>) target(%arg7 : memref<40x125xi32, #tpu.memory_space<vmem>>) target_semaphore(%run_scoped3A_70 : memref<!tpu.dma_semaphore, #tpu.memory_space<semaphore_mem>>)
        %dma_wait3A_77 = arith.constant 0 : i32
        %dma_wait3A_78 = tpu.memref_slice %arg3[%run_scoped3A_23, %add3A_22, %dma_wait3A_77] : memref<2x2560x125xi32, #tpu.memory_space<hbm>> -> memref<1x40x125xi32, #tpu.memory_space<hbm>>
        %dma_wait3A_79 = tpu.memref_squeeze %dma_wait3A_78 : memref<1x40x125xi32, #tpu.memory_space<hbm>> -> memref<40x125xi32, #tpu.memory_space<hbm>>
        %dma_wait3A_80 = arith.constant 0 : i32
        %dma_wait3A_81 = tpu.memref_slice %arg3[%run_scoped3A_23, %add3A_22, %dma_wait3A_80] : memref<2x2560x125xi32, #tpu.memory_space<hbm>> -> memref<1x40x125xi32, #tpu.memory_space<hbm>>
        %dma_wait3A_82 = tpu.memref_squeeze %dma_wait3A_81 : memref<1x40x125xi32, #tpu.memory_space<hbm>> -> memref<40x125xi32, #tpu.memory_space<hbm>>
        tpu.wait_dma2 semaphore(%run_scoped3A_70 : memref<!tpu.dma_semaphore, #tpu.memory_space<semaphore_mem>>) src(%dma_wait3A_82 : memref<40x125xi32, #tpu.memory_space<hbm>>) dst(%arg7 : memref<40x125xi32, #tpu.memory_space<vmem>>)
        tpu.yield
      }) : () -> ()
      %dma_start3A = arith.constant 0 : i32
      %dma_start3A_24 = arith.constant 0 : i32
      %dma_start3A_25 = tpu.memref_slice %arg6[%dma_start3A, %dma_start3A_24] : memref<40x125xi32, #tpu.memory_space<vmem>> -> memref<1x125xi32, #tpu.memory_space<vmem>>
      %dma_start3A_26 = tpu.memref_squeeze %dma_start3A_25 : memref<1x125xi32, #tpu.memory_space<vmem>> -> memref<125xi32, #tpu.memory_space<vmem>>
      %dma_start3A_27 = arith.constant 0 : i32
      %dma_start3A_28 = arith.constant 0 : i32
      %dma_start3A_29 = tpu.memref_slice %arg12[%dma_start3A_27, %dma_start3A_28] : memref<10240x64xf32, #tpu.memory_space<vmem_shared>> -> memref<10240x64xf32, #tpu.memory_space<vmem_shared>>
      tpu.enqueue_indirect_dma source(%dma_start3A_29 : memref<10240x64xf32, #tpu.memory_space<vmem_shared>>) target(%arg8 : memref<125x64xf32, #tpu.memory_space<vmem>>) offsets(%dma_start3A_26 : memref<125xi32, #tpu.memory_space<vmem>>) semaphore(%arg14 : memref<!tpu.dma_semaphore, #tpu.memory_space<semaphore_mem>>)
      %dma_start3A_30 = arith.constant 1 : i32
      %dma_start3A_31 = arith.constant 0 : i32
      %dma_start3A_32 = tpu.memref_slice %arg6[%dma_start3A_30, %dma_start3A_31] : memref<40x125xi32, #tpu.memory_space<vmem>> -> memref<1x125xi32, #tpu.memory_space<vmem>>
      %dma_start3A_33 = tpu.memref_squeeze %dma_start3A_32 : memref<1x125xi32, #tpu.memory_space<vmem>> -> memref<125xi32, #tpu.memory_space<vmem>>
      %dma_start3A_34 = arith.constant 0 : i32
      %dma_start3A_35 = arith.constant 0 : i32
      %dma_start3A_36 = tpu.memref_slice %arg12[%dma_start3A_34, %dma_start3A_35] : memref<10240x64xf32, #tpu.memory_space<vmem_shared>> -> memref<10240x64xf32, #tpu.memory_space<vmem_shared>>
      tpu.enqueue_indirect_dma source(%dma_start3A_36 : memref<10240x64xf32, #tpu.memory_space<vmem_shared>>) target(%arg9 : memref<125x64xf32, #tpu.memory_space<vmem>>) offsets(%dma_start3A_33 : memref<125xi32, #tpu.memory_space<vmem>>) semaphore(%arg15 : memref<!tpu.dma_semaphore, #tpu.memory_space<semaphore_mem>>)
      %scan3A_37 = arith.constant 0 : i32
      %scan3A_38 = arith.constant 0 : i32
      %scan3A_39 = arith.constant 10 : i32
      %scan3A_40 = arith.addi %scan3A_38, %scan3A_39 : i32
      %scan3A_41 = arith.constant 1 : i32
      scf.for %scan3A_70 = %scan3A_38 to %scan3A_40 step %scan3A_41  : i32 {
        %mul3A_71 = arith.constant 4 : i32
        %mul3A_72 = arith.muli %mul3A_71, %scan3A_70 : i32
        %dma_wait3A_73 = arith.constant 0 : i32
        %dma_wait3A_74 = tpu.memref_slice %arg6[%mul3A_72, %dma_wait3A_73] : memref<40x125xi32, #tpu.memory_space<vmem>> -> memref<1x125xi32, #tpu.memory_space<vmem>>
        %dma_wait3A_75 = tpu.memref_squeeze %dma_wait3A_74 : memref<1x125xi32, #tpu.memory_space<vmem>> -> memref<125xi32, #tpu.memory_space<vmem>>
        %dma_wait3A_76 = arith.constant 0 : i32
        %dma_wait3A_77 = arith.constant 0 : i32
        %dma_wait3A_78 = tpu.memref_slice %arg12[%dma_wait3A_76, %dma_wait3A_77] : memref<10240x64xf32, #tpu.memory_space<vmem_shared>> -> memref<10240x64xf32, #tpu.memory_space<vmem_shared>>
        tpu.wait_indirect_dma semaphore(%arg14 : memref<!tpu.dma_semaphore, #tpu.memory_space<semaphore_mem>>) src(%dma_wait3A_78 : memref<10240x64xf32, #tpu.memory_space<vmem_shared>>) dst(%arg8 : memref<125x64xf32, #tpu.memory_space<vmem>>)
        %dma_start3A_79 = arith.constant 0 : i32
        %dma_start3A_80 = tpu.memref_slice %arg7[%mul3A_72, %dma_start3A_79] : memref<40x125xi32, #tpu.memory_space<vmem>> -> memref<1x125xi32, #tpu.memory_space<vmem>>
        %dma_start3A_81 = tpu.memref_squeeze %dma_start3A_80 : memref<1x125xi32, #tpu.memory_space<vmem>> -> memref<125xi32, #tpu.memory_space<vmem>>
        %dma_start3A_82 = arith.constant 0 : i32
        %dma_start3A_83 = arith.constant 0 : i32
        %dma_start3A_84 = tpu.memref_slice %arg13[%dma_start3A_82, %dma_start3A_83] : memref<10240x64xf32, #tpu.memory_space<vmem_shared>> -> memref<10240x64xf32, #tpu.memory_space<vmem_shared>>
        tpu.enqueue_indirect_dma source(%arg8 : memref<125x64xf32, #tpu.memory_space<vmem>>) target(%dma_start3A_84 : memref<10240x64xf32, #tpu.memory_space<vmem_shared>>) offsets(%dma_start3A_81 : memref<125xi32, #tpu.memory_space<vmem>>) semaphore(%arg18 : memref<!tpu.dma_semaphore, #tpu.memory_space<semaphore_mem>>) {add = true}
        %gt3A = arith.constant 0 : i32
        %gt3A_85 = arith.cmpi sgt, %scan3A_70, %gt3A : i32
        %convert_element_type3A = arith.extui %gt3A_85 : i1 to i32
        %cond3A = arith.constant 0 : i32
        %cond3A_86 = arith.cmpi ne, %convert_element_type3A, %cond3A : i32
        scf.if %cond3A_86 {
          %sub3A = arith.constant 2 : i32
          %sub3A_165 = arith.subi %mul3A_72, %sub3A : i32
          %dma_wait3A_166 = arith.constant 0 : i32
          %dma_wait3A_167 = tpu.memref_slice %arg7[%sub3A_165, %dma_wait3A_166] : memref<40x125xi32, #tpu.memory_space<vmem>> -> memref<1x125xi32, #tpu.memory_space<vmem>>
          %dma_wait3A_168 = tpu.memref_squeeze %dma_wait3A_167 : memref<1x125xi32, #tpu.memory_space<vmem>> -> memref<125xi32, #tpu.memory_space<vmem>>
          %dma_wait3A_169 = arith.constant 0 : i32
          %dma_wait3A_170 = arith.constant 0 : i32
          %dma_wait3A_171 = tpu.memref_slice %arg13[%dma_wait3A_169, %dma_wait3A_170] : memref<10240x64xf32, #tpu.memory_space<vmem_shared>> -> memref<10240x64xf32, #tpu.memory_space<vmem_shared>>
          tpu.wait_indirect_dma semaphore(%arg20 : memref<!tpu.dma_semaphore, #tpu.memory_space<semaphore_mem>>) src(%arg10 : memref<125x64xf32, #tpu.memory_space<vmem>>) dst(%dma_wait3A_171 : memref<10240x64xf32, #tpu.memory_space<vmem_shared>>)
        } else {
        }
        %add3A_87 = arith.constant 2 : i32
        %add3A_88 = arith.addi %mul3A_72, %add3A_87 : i32
        %dma_start3A_89 = arith.constant 0 : i32
        %dma_start3A_90 = tpu.memref_slice %arg6[%add3A_88, %dma_start3A_89] : memref<40x125xi32, #tpu.memory_space<vmem>> -> memref<1x125xi32, #tpu.memory_space<vmem>>
        %dma_start3A_91 = tpu.memref_squeeze %dma_start3A_90 : memref<1x125xi32, #tpu.memory_space<vmem>> -> memref<125xi32, #tpu.memory_space<vmem>>
        %dma_start3A_92 = arith.constant 0 : i32
        %dma_start3A_93 = arith.constant 0 : i32
        %dma_start3A_94 = tpu.memref_slice %arg12[%dma_start3A_92, %dma_start3A_93] : memref<10240x64xf32, #tpu.memory_space<vmem_shared>> -> memref<10240x64xf32, #tpu.memory_space<vmem_shared>>
        tpu.enqueue_indirect_dma source(%dma_start3A_94 : memref<10240x64xf32, #tpu.memory_space<vmem_shared>>) target(%arg10 : memref<125x64xf32, #tpu.memory_space<vmem>>) offsets(%dma_start3A_91 : memref<125xi32, #tpu.memory_space<vmem>>) semaphore(%arg16 : memref<!tpu.dma_semaphore, #tpu.memory_space<semaphore_mem>>)
        %add3A_95 = arith.constant 1 : i32
        %add3A_96 = arith.addi %mul3A_72, %add3A_95 : i32
        %dma_wait3A_97 = arith.constant 0 : i32
        %dma_wait3A_98 = tpu.memref_slice %arg6[%add3A_96, %dma_wait3A_97] : memref<40x125xi32, #tpu.memory_space<vmem>> -> memref<1x125xi32, #tpu.memory_space<vmem>>
        %dma_wait3A_99 = tpu.memref_squeeze %dma_wait3A_98 : memref<1x125xi32, #tpu.memory_space<vmem>> -> memref<125xi32, #tpu.memory_space<vmem>>
        %dma_wait3A_100 = arith.constant 0 : i32
        %dma_wait3A_101 = arith.constant 0 : i32
        %dma_wait3A_102 = tpu.memref_slice %arg12[%dma_wait3A_100, %dma_wait3A_101] : memref<10240x64xf32, #tpu.memory_space<vmem_shared>> -> memref<10240x64xf32, #tpu.memory_space<vmem_shared>>
        tpu.wait_indirect_dma semaphore(%arg15 : memref<!tpu.dma_semaphore, #tpu.memory_space<semaphore_mem>>) src(%dma_wait3A_102 : memref<10240x64xf32, #tpu.memory_space<vmem_shared>>) dst(%arg9 : memref<125x64xf32, #tpu.memory_space<vmem>>)
        %add3A_103 = arith.constant 1 : i32
        %add3A_104 = arith.addi %mul3A_72, %add3A_103 : i32
        %dma_start3A_105 = arith.constant 0 : i32
        %dma_start3A_106 = tpu.memref_slice %arg7[%add3A_104, %dma_start3A_105] : memref<40x125xi32, #tpu.memory_space<vmem>> -> memref<1x125xi32, #tpu.memory_space<vmem>>
        %dma_start3A_107 = tpu.memref_squeeze %dma_start3A_106 : memref<1x125xi32, #tpu.memory_space<vmem>> -> memref<125xi32, #tpu.memory_space<vmem>>
        %dma_start3A_108 = arith.constant 0 : i32
        %dma_start3A_109 = arith.constant 0 : i32
        %dma_start3A_110 = tpu.memref_slice %arg13[%dma_start3A_108, %dma_start3A_109] : memref<10240x64xf32, #tpu.memory_space<vmem_shared>> -> memref<10240x64xf32, #tpu.memory_space<vmem_shared>>
        tpu.enqueue_indirect_dma source(%arg9 : memref<125x64xf32, #tpu.memory_space<vmem>>) target(%dma_start3A_110 : memref<10240x64xf32, #tpu.memory_space<vmem_shared>>) offsets(%dma_start3A_107 : memref<125xi32, #tpu.memory_space<vmem>>) semaphore(%arg19 : memref<!tpu.dma_semaphore, #tpu.memory_space<semaphore_mem>>) {add = true}
        %gt3A_111 = arith.constant 0 : i32
        %gt3A_112 = arith.cmpi sgt, %scan3A_70, %gt3A_111 : i32
        %convert_element_type3A_113 = arith.extui %gt3A_112 : i1 to i32
        %cond3A_114 = arith.constant 0 : i32
        %cond3A_115 = arith.cmpi ne, %convert_element_type3A_113, %cond3A_114 : i32
        scf.if %cond3A_115 {
          %sub3A = arith.constant 1 : i32
          %sub3A_165 = arith.subi %mul3A_72, %sub3A : i32
          %dma_wait3A_166 = arith.constant 0 : i32
          %dma_wait3A_167 = tpu.memref_slice %arg7[%sub3A_165, %dma_wait3A_166] : memref<40x125xi32, #tpu.memory_space<vmem>> -> memref<1x125xi32, #tpu.memory_space<vmem>>
          %dma_wait3A_168 = tpu.memref_squeeze %dma_wait3A_167 : memref<1x125xi32, #tpu.memory_space<vmem>> -> memref<125xi32, #tpu.memory_space<vmem>>
          %dma_wait3A_169 = arith.constant 0 : i32
          %dma_wait3A_170 = arith.constant 0 : i32
          %dma_wait3A_171 = tpu.memref_slice %arg13[%dma_wait3A_169, %dma_wait3A_170] : memref<10240x64xf32, #tpu.memory_space<vmem_shared>> -> memref<10240x64xf32, #tpu.memory_space<vmem_shared>>
          tpu.wait_indirect_dma semaphore(%arg21 : memref<!tpu.dma_semaphore, #tpu.memory_space<semaphore_mem>>) src(%arg11 : memref<125x64xf32, #tpu.memory_space<vmem>>) dst(%dma_wait3A_171 : memref<10240x64xf32, #tpu.memory_space<vmem_shared>>)
        } else {
        }
        %add3A_116 = arith.constant 3 : i32
        %add3A_117 = arith.addi %mul3A_72, %add3A_116 : i32
        %dma_start3A_118 = arith.constant 0 : i32
        %dma_start3A_119 = tpu.memref_slice %arg6[%add3A_117, %dma_start3A_118] : memref<40x125xi32, #tpu.memory_space<vmem>> -> memref<1x125xi32, #tpu.memory_space<vmem>>
        %dma_start3A_120 = tpu.memref_squeeze %dma_start3A_119 : memref<1x125xi32, #tpu.memory_space<vmem>> -> memref<125xi32, #tpu.memory_space<vmem>>
        %dma_start3A_121 = arith.constant 0 : i32
        %dma_start3A_122 = arith.constant 0 : i32
        %dma_start3A_123 = tpu.memref_slice %arg12[%dma_start3A_121, %dma_start3A_122] : memref<10240x64xf32, #tpu.memory_space<vmem_shared>> -> memref<10240x64xf32, #tpu.memory_space<vmem_shared>>
        tpu.enqueue_indirect_dma source(%dma_start3A_123 : memref<10240x64xf32, #tpu.memory_space<vmem_shared>>) target(%arg11 : memref<125x64xf32, #tpu.memory_space<vmem>>) offsets(%dma_start3A_120 : memref<125xi32, #tpu.memory_space<vmem>>) semaphore(%arg17 : memref<!tpu.dma_semaphore, #tpu.memory_space<semaphore_mem>>)
        %add3A_124 = arith.constant 2 : i32
        %add3A_125 = arith.addi %mul3A_72, %add3A_124 : i32
        %dma_wait3A_126 = arith.constant 0 : i32
        %dma_wait3A_127 = tpu.memref_slice %arg6[%add3A_125, %dma_wait3A_126] : memref<40x125xi32, #tpu.memory_space<vmem>> -> memref<1x125xi32, #tpu.memory_space<vmem>>
        %dma_wait3A_128 = tpu.memref_squeeze %dma_wait3A_127 : memref<1x125xi32, #tpu.memory_space<vmem>> -> memref<125xi32, #tpu.memory_space<vmem>>
        %dma_wait3A_129 = arith.constant 0 : i32
        %dma_wait3A_130 = arith.constant 0 : i32
        %dma_wait3A_131 = tpu.memref_slice %arg12[%dma_wait3A_129, %dma_wait3A_130] : memref<10240x64xf32, #tpu.memory_space<vmem_shared>> -> memref<10240x64xf32, #tpu.memory_space<vmem_shared>>
        tpu.wait_indirect_dma semaphore(%arg16 : memref<!tpu.dma_semaphore, #tpu.memory_space<semaphore_mem>>) src(%dma_wait3A_131 : memref<10240x64xf32, #tpu.memory_space<vmem_shared>>) dst(%arg10 : memref<125x64xf32, #tpu.memory_space<vmem>>)
        %add3A_132 = arith.constant 2 : i32
        %add3A_133 = arith.addi %mul3A_72, %add3A_132 : i32
        %dma_start3A_134 = arith.constant 0 : i32
        %dma_start3A_135 = tpu.memref_slice %arg7[%add3A_133, %dma_start3A_134] : memref<40x125xi32, #tpu.memory_space<vmem>> -> memref<1x125xi32, #tpu.memory_space<vmem>>
        %dma_start3A_136 = tpu.memref_squeeze %dma_start3A_135 : memref<1x125xi32, #tpu.memory_space<vmem>> -> memref<125xi32, #tpu.memory_space<vmem>>
        %dma_start3A_137 = arith.constant 0 : i32
        %dma_start3A_138 = arith.constant 0 : i32
        %dma_start3A_139 = tpu.memref_slice %arg13[%dma_start3A_137, %dma_start3A_138] : memref<10240x64xf32, #tpu.memory_space<vmem_shared>> -> memref<10240x64xf32, #tpu.memory_space<vmem_shared>>
        tpu.enqueue_indirect_dma source(%arg10 : memref<125x64xf32, #tpu.memory_space<vmem>>) target(%dma_start3A_139 : memref<10240x64xf32, #tpu.memory_space<vmem_shared>>) offsets(%dma_start3A_136 : memref<125xi32, #tpu.memory_space<vmem>>) semaphore(%arg20 : memref<!tpu.dma_semaphore, #tpu.memory_space<semaphore_mem>>) {add = true}
        %lt3A = arith.constant 9 : i32
        %lt3A_140 = arith.cmpi slt, %scan3A_70, %lt3A : i32
        %convert_element_type3A_141 = arith.extui %lt3A_140 : i1 to i32
        %cond3A_142 = arith.constant 0 : i32
        %cond3A_143 = arith.cmpi ne, %convert_element_type3A_141, %cond3A_142 : i32
        scf.if %cond3A_143 {
          %dma_wait3A_165 = arith.constant 0 : i32
          %dma_wait3A_166 = tpu.memref_slice %arg7[%mul3A_72, %dma_wait3A_165] : memref<40x125xi32, #tpu.memory_space<vmem>> -> memref<1x125xi32, #tpu.memory_space<vmem>>
          %dma_wait3A_167 = tpu.memref_squeeze %dma_wait3A_166 : memref<1x125xi32, #tpu.memory_space<vmem>> -> memref<125xi32, #tpu.memory_space<vmem>>
          %dma_wait3A_168 = arith.constant 0 : i32
          %dma_wait3A_169 = arith.constant 0 : i32
          %dma_wait3A_170 = tpu.memref_slice %arg13[%dma_wait3A_168, %dma_wait3A_169] : memref<10240x64xf32, #tpu.memory_space<vmem_shared>> -> memref<10240x64xf32, #tpu.memory_space<vmem_shared>>
          tpu.wait_indirect_dma semaphore(%arg18 : memref<!tpu.dma_semaphore, #tpu.memory_space<semaphore_mem>>) src(%arg8 : memref<125x64xf32, #tpu.memory_space<vmem>>) dst(%dma_wait3A_170 : memref<10240x64xf32, #tpu.memory_space<vmem_shared>>)
          %add3A_171 = arith.constant 4 : i32
          %add3A_172 = arith.addi %mul3A_72, %add3A_171 : i32
          %dma_start3A_173 = arith.constant 0 : i32
          %dma_start3A_174 = tpu.memref_slice %arg6[%add3A_172, %dma_start3A_173] : memref<40x125xi32, #tpu.memory_space<vmem>> -> memref<1x125xi32, #tpu.memory_space<vmem>>
          %dma_start3A_175 = tpu.memref_squeeze %dma_start3A_174 : memref<1x125xi32, #tpu.memory_space<vmem>> -> memref<125xi32, #tpu.memory_space<vmem>>
          %dma_start3A_176 = arith.constant 0 : i32
          %dma_start3A_177 = arith.constant 0 : i32
          %dma_start3A_178 = tpu.memref_slice %arg12[%dma_start3A_176, %dma_start3A_177] : memref<10240x64xf32, #tpu.memory_space<vmem_shared>> -> memref<10240x64xf32, #tpu.memory_space<vmem_shared>>
          tpu.enqueue_indirect_dma source(%dma_start3A_178 : memref<10240x64xf32, #tpu.memory_space<vmem_shared>>) target(%arg8 : memref<125x64xf32, #tpu.memory_space<vmem>>) offsets(%dma_start3A_175 : memref<125xi32, #tpu.memory_space<vmem>>) semaphore(%arg14 : memref<!tpu.dma_semaphore, #tpu.memory_space<semaphore_mem>>)
        } else {
        }
        %add3A_144 = arith.constant 3 : i32
        %add3A_145 = arith.addi %mul3A_72, %add3A_144 : i32
        %dma_wait3A_146 = arith.constant 0 : i32
        %dma_wait3A_147 = tpu.memref_slice %arg6[%add3A_145, %dma_wait3A_146] : memref<40x125xi32, #tpu.memory_space<vmem>> -> memref<1x125xi32, #tpu.memory_space<vmem>>
        %dma_wait3A_148 = tpu.memref_squeeze %dma_wait3A_147 : memref<1x125xi32, #tpu.memory_space<vmem>> -> memref<125xi32, #tpu.memory_space<vmem>>
        %dma_wait3A_149 = arith.constant 0 : i32
        %dma_wait3A_150 = arith.constant 0 : i32
        %dma_wait3A_151 = tpu.memref_slice %arg12[%dma_wait3A_149, %dma_wait3A_150] : memref<10240x64xf32, #tpu.memory_space<vmem_shared>> -> memref<10240x64xf32, #tpu.memory_space<vmem_shared>>
        tpu.wait_indirect_dma semaphore(%arg17 : memref<!tpu.dma_semaphore, #tpu.memory_space<semaphore_mem>>) src(%dma_wait3A_151 : memref<10240x64xf32, #tpu.memory_space<vmem_shared>>) dst(%arg11 : memref<125x64xf32, #tpu.memory_space<vmem>>)
        %add3A_152 = arith.constant 3 : i32
        %add3A_153 = arith.addi %mul3A_72, %add3A_152 : i32
        %dma_start3A_154 = arith.constant 0 : i32
        %dma_start3A_155 = tpu.memref_slice %arg7[%add3A_153, %dma_start3A_154] : memref<40x125xi32, #tpu.memory_space<vmem>> -> memref<1x125xi32, #tpu.memory_space<vmem>>
        %dma_start3A_156 = tpu.memref_squeeze %dma_start3A_155 : memref<1x125xi32, #tpu.memory_space<vmem>> -> memref<125xi32, #tpu.memory_space<vmem>>
        %dma_start3A_157 = arith.constant 0 : i32
        %dma_start3A_158 = arith.constant 0 : i32
        %dma_start3A_159 = tpu.memref_slice %arg13[%dma_start3A_157, %dma_start3A_158] : memref<10240x64xf32, #tpu.memory_space<vmem_shared>> -> memref<10240x64xf32, #tpu.memory_space<vmem_shared>>
        tpu.enqueue_indirect_dma source(%arg11 : memref<125x64xf32, #tpu.memory_space<vmem>>) target(%dma_start3A_159 : memref<10240x64xf32, #tpu.memory_space<vmem_shared>>) offsets(%dma_start3A_156 : memref<125xi32, #tpu.memory_space<vmem>>) semaphore(%arg21 : memref<!tpu.dma_semaphore, #tpu.memory_space<semaphore_mem>>) {add = true}
        %lt3A_160 = arith.constant 9 : i32
        %lt3A_161 = arith.cmpi slt, %scan3A_70, %lt3A_160 : i32
        %convert_element_type3A_162 = arith.extui %lt3A_161 : i1 to i32
        %cond3A_163 = arith.constant 0 : i32
        %cond3A_164 = arith.cmpi ne, %convert_element_type3A_162, %cond3A_163 : i32
        scf.if %cond3A_164 {
          %add3A_165 = arith.constant 1 : i32
          %add3A_166 = arith.addi %mul3A_72, %add3A_165 : i32
          %dma_wait3A_167 = arith.constant 0 : i32
          %dma_wait3A_168 = tpu.memref_slice %arg7[%add3A_166, %dma_wait3A_167] : memref<40x125xi32, #tpu.memory_space<vmem>> -> memref<1x125xi32, #tpu.memory_space<vmem>>
          %dma_wait3A_169 = tpu.memref_squeeze %dma_wait3A_168 : memref<1x125xi32, #tpu.memory_space<vmem>> -> memref<125xi32, #tpu.memory_space<vmem>>
          %dma_wait3A_170 = arith.constant 0 : i32
          %dma_wait3A_171 = arith.constant 0 : i32
          %dma_wait3A_172 = tpu.memref_slice %arg13[%dma_wait3A_170, %dma_wait3A_171] : memref<10240x64xf32, #tpu.memory_space<vmem_shared>> -> memref<10240x64xf32, #tpu.memory_space<vmem_shared>>
          tpu.wait_indirect_dma semaphore(%arg19 : memref<!tpu.dma_semaphore, #tpu.memory_space<semaphore_mem>>) src(%arg9 : memref<125x64xf32, #tpu.memory_space<vmem>>) dst(%dma_wait3A_172 : memref<10240x64xf32, #tpu.memory_space<vmem_shared>>)
          %add3A_173 = arith.constant 5 : i32
          %add3A_174 = arith.addi %mul3A_72, %add3A_173 : i32
          %dma_start3A_175 = arith.constant 0 : i32
          %dma_start3A_176 = tpu.memref_slice %arg6[%add3A_174, %dma_start3A_175] : memref<40x125xi32, #tpu.memory_space<vmem>> -> memref<1x125xi32, #tpu.memory_space<vmem>>
          %dma_start3A_177 = tpu.memref_squeeze %dma_start3A_176 : memref<1x125xi32, #tpu.memory_space<vmem>> -> memref<125xi32, #tpu.memory_space<vmem>>
          %dma_start3A_178 = arith.constant 0 : i32
          %dma_start3A_179 = arith.constant 0 : i32
          %dma_start3A_180 = tpu.memref_slice %arg12[%dma_start3A_178, %dma_start3A_179] : memref<10240x64xf32, #tpu.memory_space<vmem_shared>> -> memref<10240x64xf32, #tpu.memory_space<vmem_shared>>
          tpu.enqueue_indirect_dma source(%dma_start3A_180 : memref<10240x64xf32, #tpu.memory_space<vmem_shared>>) target(%arg9 : memref<125x64xf32, #tpu.memory_space<vmem>>) offsets(%dma_start3A_177 : memref<125xi32, #tpu.memory_space<vmem>>) semaphore(%arg15 : memref<!tpu.dma_semaphore, #tpu.memory_space<semaphore_mem>>)
        } else {
        }
      }
      %scan3A_42 = arith.constant 10 : i32
      %dma_wait3A = arith.constant 36 : i32
      %dma_wait3A_43 = arith.constant 0 : i32
      %dma_wait3A_44 = tpu.memref_slice %arg7[%dma_wait3A, %dma_wait3A_43] : memref<40x125xi32, #tpu.memory_space<vmem>> -> memref<1x125xi32, #tpu.memory_space<vmem>>
      %dma_wait3A_45 = tpu.memref_squeeze %dma_wait3A_44 : memref<1x125xi32, #tpu.memory_space<vmem>> -> memref<125xi32, #tpu.memory_space<vmem>>
      %dma_wait3A_46 = arith.constant 0 : i32
      %dma_wait3A_47 = arith.constant 0 : i32
      %dma_wait3A_48 = tpu.memref_slice %arg13[%dma_wait3A_46, %dma_wait3A_47] : memref<10240x64xf32, #tpu.memory_space<vmem_shared>> -> memref<10240x64xf32, #tpu.memory_space<vmem_shared>>
      tpu.wait_indirect_dma semaphore(%arg18 : memref<!tpu.dma_semaphore, #tpu.memory_space<semaphore_mem>>) src(%arg8 : memref<125x64xf32, #tpu.memory_space<vmem>>) dst(%dma_wait3A_48 : memref<10240x64xf32, #tpu.memory_space<vmem_shared>>)
      %dma_wait3A_49 = arith.constant 37 : i32
      %dma_wait3A_50 = arith.constant 0 : i32
      %dma_wait3A_51 = tpu.memref_slice %arg7[%dma_wait3A_49, %dma_wait3A_50] : memref<40x125xi32, #tpu.memory_space<vmem>> -> memref<1x125xi32, #tpu.memory_space<vmem>>
      %dma_wait3A_52 = tpu.memref_squeeze %dma_wait3A_51 : memref<1x125xi32, #tpu.memory_space<vmem>> -> memref<125xi32, #tpu.memory_space<vmem>>
      %dma_wait3A_53 = arith.constant 0 : i32
      %dma_wait3A_54 = arith.constant 0 : i32
      %dma_wait3A_55 = tpu.memref_slice %arg13[%dma_wait3A_53, %dma_wait3A_54] : memref<10240x64xf32, #tpu.memory_space<vmem_shared>> -> memref<10240x64xf32, #tpu.memory_space<vmem_shared>>
      tpu.wait_indirect_dma semaphore(%arg19 : memref<!tpu.dma_semaphore, #tpu.memory_space<semaphore_mem>>) src(%arg9 : memref<125x64xf32, #tpu.memory_space<vmem>>) dst(%dma_wait3A_55 : memref<10240x64xf32, #tpu.memory_space<vmem_shared>>)
      %dma_wait3A_56 = arith.constant 38 : i32
      %dma_wait3A_57 = arith.constant 0 : i32
      %dma_wait3A_58 = tpu.memref_slice %arg7[%dma_wait3A_56, %dma_wait3A_57] : memref<40x125xi32, #tpu.memory_space<vmem>> -> memref<1x125xi32, #tpu.memory_space<vmem>>
      %dma_wait3A_59 = tpu.memref_squeeze %dma_wait3A_58 : memref<1x125xi32, #tpu.memory_space<vmem>> -> memref<125xi32, #tpu.memory_space<vmem>>
      %dma_wait3A_60 = arith.constant 0 : i32
      %dma_wait3A_61 = arith.constant 0 : i32
      %dma_wait3A_62 = tpu.memref_slice %arg13[%dma_wait3A_60, %dma_wait3A_61] : memref<10240x64xf32, #tpu.memory_space<vmem_shared>> -> memref<10240x64xf32, #tpu.memory_space<vmem_shared>>
      tpu.wait_indirect_dma semaphore(%arg20 : memref<!tpu.dma_semaphore, #tpu.memory_space<semaphore_mem>>) src(%arg10 : memref<125x64xf32, #tpu.memory_space<vmem>>) dst(%dma_wait3A_62 : memref<10240x64xf32, #tpu.memory_space<vmem_shared>>)
      %dma_wait3A_63 = arith.constant 39 : i32
      %dma_wait3A_64 = arith.constant 0 : i32
      %dma_wait3A_65 = tpu.memref_slice %arg7[%dma_wait3A_63, %dma_wait3A_64] : memref<40x125xi32, #tpu.memory_space<vmem>> -> memref<1x125xi32, #tpu.memory_space<vmem>>
      %dma_wait3A_66 = tpu.memref_squeeze %dma_wait3A_65 : memref<1x125xi32, #tpu.memory_space<vmem>> -> memref<125xi32, #tpu.memory_space<vmem>>
      %dma_wait3A_67 = arith.constant 0 : i32
      %dma_wait3A_68 = arith.constant 0 : i32
      %dma_wait3A_69 = tpu.memref_slice %arg13[%dma_wait3A_67, %dma_wait3A_68] : memref<10240x64xf32, #tpu.memory_space<vmem_shared>> -> memref<10240x64xf32, #tpu.memory_space<vmem_shared>>
      tpu.wait_indirect_dma semaphore(%arg21 : memref<!tpu.dma_semaphore, #tpu.memory_space<semaphore_mem>>) src(%arg11 : memref<125x64xf32, #tpu.memory_space<vmem>>) dst(%dma_wait3A_69 : memref<10240x64xf32, #tpu.memory_space<vmem_shared>>)
    }
    %scan3A_7 = arith.constant 2 : i32
    %barrier3A_8 = arith.constant 0 : index
    tpu.barrier barrier_id(%barrier3A_8)
    "tpu.region"() ({
      %run_scoped3A = tpu.sem_alloc : memref<!tpu.dma_semaphore, #tpu.memory_space<semaphore_mem>>
      %dma_start3A = arith.constant 0 : i32
      %dma_start3A_17 = tpu.memref_slice %arg5[%arg0, %mul3A_2, %dma_start3A] : memref<2x10240x128xf32, #tpu.memory_space<hbm>> -> memref<1x640x64xf32, #tpu.memory_space<hbm>>
      %dma_start3A_18 = tpu.memref_squeeze %dma_start3A_17 : memref<1x640x64xf32, #tpu.memory_space<hbm>> -> memref<640x64xf32, #tpu.memory_space<hbm>>
      %dma_start3A_19 = arith.constant 0 : i32
      %dma_start3A_20 = tpu.memref_slice %arg13[%mul3A_2, %dma_start3A_19] : memref<10240x64xf32, #tpu.memory_space<vmem_shared>> -> memref<640x64xf32, #tpu.memory_space<vmem_shared>>
      tpu.enqueue_dma source(%dma_start3A_20 : memref<640x64xf32, #tpu.memory_space<vmem_shared>>) target(%dma_start3A_18 : memref<640x64xf32, #tpu.memory_space<hbm>>) target_semaphore(%run_scoped3A : memref<!tpu.dma_semaphore, #tpu.memory_space<semaphore_mem>>)
      %dma_wait3A = arith.constant 0 : i32
      %dma_wait3A_21 = tpu.memref_slice %arg5[%arg0, %mul3A_2, %dma_wait3A] : memref<2x10240x128xf32, #tpu.memory_space<hbm>> -> memref<1x640x64xf32, #tpu.memory_space<hbm>>
      %dma_wait3A_22 = tpu.memref_squeeze %dma_wait3A_21 : memref<1x640x64xf32, #tpu.memory_space<hbm>> -> memref<640x64xf32, #tpu.memory_space<hbm>>
      %dma_wait3A_23 = arith.constant 0 : i32
      %dma_wait3A_24 = tpu.memref_slice %arg13[%mul3A_2, %dma_wait3A_23] : memref<10240x64xf32, #tpu.memory_space<vmem_shared>> -> memref<640x64xf32, #tpu.memory_space<vmem_shared>>
      tpu.wait_dma2 semaphore(%run_scoped3A : memref<!tpu.dma_semaphore, #tpu.memory_space<semaphore_mem>>) src(%dma_wait3A_24 : memref<640x64xf32, #tpu.memory_space<vmem_shared>>) dst(%dma_wait3A_22 : memref<640x64xf32, #tpu.memory_space<hbm>>)
      tpu.yield
    }) : () -> ()
    "tpu.region"() ({
      %run_scoped3A = tpu.sem_alloc : memref<!tpu.dma_semaphore, #tpu.memory_space<semaphore_mem>>
      %dma_start3A = arith.constant 0 : i32
      %dma_start3A_17 = tpu.memref_slice %arg12[%mul3A_2, %dma_start3A] : memref<10240x64xf32, #tpu.memory_space<vmem_shared>> -> memref<640x64xf32, #tpu.memory_space<vmem_shared>>
      %dma_start3A_18 = arith.constant 64 : i32
      %dma_start3A_19 = tpu.memref_slice %arg2[%mul3A_2, %dma_start3A_18] : memref<10240x128xf32, #tpu.memory_space<hbm>> -> memref<640x64xf32, #tpu.memory_space<hbm>>
      tpu.enqueue_dma source(%dma_start3A_19 : memref<640x64xf32, #tpu.memory_space<hbm>>) target(%dma_start3A_17 : memref<640x64xf32, #tpu.memory_space<vmem_shared>>) target_semaphore(%run_scoped3A : memref<!tpu.dma_semaphore, #tpu.memory_space<semaphore_mem>>)
      %dma_wait3A = arith.constant 0 : i32
      %dma_wait3A_20 = tpu.memref_slice %arg12[%mul3A_2, %dma_wait3A] : memref<10240x64xf32, #tpu.memory_space<vmem_shared>> -> memref<640x64xf32, #tpu.memory_space<vmem_shared>>
      %dma_wait3A_21 = arith.constant 64 : i32
      %dma_wait3A_22 = tpu.memref_slice %arg2[%mul3A_2, %dma_wait3A_21] : memref<10240x128xf32, #tpu.memory_space<hbm>> -> memref<640x64xf32, #tpu.memory_space<hbm>>
      tpu.wait_dma2 semaphore(%run_scoped3A : memref<!tpu.dma_semaphore, #tpu.memory_space<semaphore_mem>>) src(%dma_wait3A_22 : memref<640x64xf32, #tpu.memory_space<hbm>>) dst(%dma_wait3A_20 : memref<640x64xf32, #tpu.memory_space<vmem_shared>>)
      tpu.yield
    }) : () -> ()
    "tpu.region"() ({
      %run_scoped3A = tpu.sem_alloc : memref<!tpu.dma_semaphore, #tpu.memory_space<semaphore_mem>>
      %dma_start3A = arith.constant 0 : i32
      %dma_start3A_17 = tpu.memref_slice %arg13[%mul3A_2, %dma_start3A] : memref<10240x64xf32, #tpu.memory_space<vmem_shared>> -> memref<640x64xf32, #tpu.memory_space<vmem_shared>>
      tpu.enqueue_dma source(%arg4 : memref<640x64xf32, #tpu.memory_space<hbm>>) target(%dma_start3A_17 : memref<640x64xf32, #tpu.memory_space<vmem_shared>>) target_semaphore(%run_scoped3A : memref<!tpu.dma_semaphore, #tpu.memory_space<semaphore_mem>>)
      %dma_wait3A = arith.constant 0 : i32
      %dma_wait3A_18 = tpu.memref_slice %arg13[%mul3A_2, %dma_wait3A] : memref<10240x64xf32, #tpu.memory_space<vmem_shared>> -> memref<640x64xf32, #tpu.memory_space<vmem_shared>>
      tpu.wait_dma2 semaphore(%run_scoped3A : memref<!tpu.dma_semaphore, #tpu.memory_space<semaphore_mem>>) src(%arg4 : memref<640x64xf32, #tpu.memory_space<hbm>>) dst(%dma_wait3A_18 : memref<640x64xf32, #tpu.memory_space<vmem_shared>>)
      tpu.yield
    }) : () -> ()
    %barrier3A_9 = arith.constant 0 : index
    tpu.barrier barrier_id(%barrier3A_9)
    %scan3A_10 = arith.constant 0 : i32
    %scan3A_11 = arith.constant 0 : i32
    %scan3A_12 = arith.constant 2 : i32
    %scan3A_13 = arith.addi %scan3A_11, %scan3A_12 : i32
    %scan3A_14 = arith.constant 1 : i32
    scf.for %scan3A_17 = %scan3A_11 to %scan3A_13 step %scan3A_14  : i32 {
      %mul3A_18 = arith.constant 80 : i32
      %mul3A_19 = arith.muli %add3A, %mul3A_18 : i32
      %mul3A_20 = arith.constant 40 : i32
      %mul3A_21 = arith.muli %scan3A_17, %mul3A_20 : i32
      %add3A_22 = arith.addi %mul3A_19, %mul3A_21 : i32
      %run_scoped3A = arith.constant 0 : i32
      "tpu.region"() ({
        %run_scoped3A_70 = tpu.sem_alloc : memref<!tpu.dma_semaphore, #tpu.memory_space<semaphore_mem>>
        %dma_start3A_71 = arith.constant 0 : i32
        %dma_start3A_72 = tpu.memref_slice %arg3[%run_scoped3A, %add3A_22, %dma_start3A_71] : memref<2x2560x125xi32, #tpu.memory_space<hbm>> -> memref<1x40x125xi32, #tpu.memory_space<hbm>>
        %dma_start3A_73 = tpu.memref_squeeze %dma_start3A_72 : memref<1x40x125xi32, #tpu.memory_space<hbm>> -> memref<40x125xi32, #tpu.memory_space<hbm>>
        %dma_start3A_74 = arith.constant 0 : i32
        %dma_start3A_75 = tpu.memref_slice %arg3[%run_scoped3A, %add3A_22, %dma_start3A_74] : memref<2x2560x125xi32, #tpu.memory_space<hbm>> -> memref<1x40x125xi32, #tpu.memory_space<hbm>>
        %dma_start3A_76 = tpu.memref_squeeze %dma_start3A_75 : memref<1x40x125xi32, #tpu.memory_space<hbm>> -> memref<40x125xi32, #tpu.memory_space<hbm>>
        tpu.enqueue_dma source(%dma_start3A_76 : memref<40x125xi32, #tpu.memory_space<hbm>>) target(%arg6 : memref<40x125xi32, #tpu.memory_space<vmem>>) target_semaphore(%run_scoped3A_70 : memref<!tpu.dma_semaphore, #tpu.memory_space<semaphore_mem>>)
        %dma_wait3A_77 = arith.constant 0 : i32
        %dma_wait3A_78 = tpu.memref_slice %arg3[%run_scoped3A, %add3A_22, %dma_wait3A_77] : memref<2x2560x125xi32, #tpu.memory_space<hbm>> -> memref<1x40x125xi32, #tpu.memory_space<hbm>>
        %dma_wait3A_79 = tpu.memref_squeeze %dma_wait3A_78 : memref<1x40x125xi32, #tpu.memory_space<hbm>> -> memref<40x125xi32, #tpu.memory_space<hbm>>
        %dma_wait3A_80 = arith.constant 0 : i32
        %dma_wait3A_81 = tpu.memref_slice %arg3[%run_scoped3A, %add3A_22, %dma_wait3A_80] : memref<2x2560x125xi32, #tpu.memory_space<hbm>> -> memref<1x40x125xi32, #tpu.memory_space<hbm>>
        %dma_wait3A_82 = tpu.memref_squeeze %dma_wait3A_81 : memref<1x40x125xi32, #tpu.memory_space<hbm>> -> memref<40x125xi32, #tpu.memory_space<hbm>>
        tpu.wait_dma2 semaphore(%run_scoped3A_70 : memref<!tpu.dma_semaphore, #tpu.memory_space<semaphore_mem>>) src(%dma_wait3A_82 : memref<40x125xi32, #tpu.memory_space<hbm>>) dst(%arg6 : memref<40x125xi32, #tpu.memory_space<vmem>>)
        tpu.yield
      }) : () -> ()
      %run_scoped3A_23 = arith.constant 1 : i32
      "tpu.region"() ({
        %run_scoped3A_70 = tpu.sem_alloc : memref<!tpu.dma_semaphore, #tpu.memory_space<semaphore_mem>>
        %dma_start3A_71 = arith.constant 0 : i32
        %dma_start3A_72 = tpu.memref_slice %arg3[%run_scoped3A_23, %add3A_22, %dma_start3A_71] : memref<2x2560x125xi32, #tpu.memory_space<hbm>> -> memref<1x40x125xi32, #tpu.memory_space<hbm>>
        %dma_start3A_73 = tpu.memref_squeeze %dma_start3A_72 : memref<1x40x125xi32, #tpu.memory_space<hbm>> -> memref<40x125xi32, #tpu.memory_space<hbm>>
        %dma_start3A_74 = arith.constant 0 : i32
        %dma_start3A_75 = tpu.memref_slice %arg3[%run_scoped3A_23, %add3A_22, %dma_start3A_74] : memref<2x2560x125xi32, #tpu.memory_space<hbm>> -> memref<1x40x125xi32, #tpu.memory_space<hbm>>
        %dma_start3A_76 = tpu.memref_squeeze %dma_start3A_75 : memref<1x40x125xi32, #tpu.memory_space<hbm>> -> memref<40x125xi32, #tpu.memory_space<hbm>>
        tpu.enqueue_dma source(%dma_start3A_76 : memref<40x125xi32, #tpu.memory_space<hbm>>) target(%arg7 : memref<40x125xi32, #tpu.memory_space<vmem>>) target_semaphore(%run_scoped3A_70 : memref<!tpu.dma_semaphore, #tpu.memory_space<semaphore_mem>>)
        %dma_wait3A_77 = arith.constant 0 : i32
        %dma_wait3A_78 = tpu.memref_slice %arg3[%run_scoped3A_23, %add3A_22, %dma_wait3A_77] : memref<2x2560x125xi32, #tpu.memory_space<hbm>> -> memref<1x40x125xi32, #tpu.memory_space<hbm>>
        %dma_wait3A_79 = tpu.memref_squeeze %dma_wait3A_78 : memref<1x40x125xi32, #tpu.memory_space<hbm>> -> memref<40x125xi32, #tpu.memory_space<hbm>>
        %dma_wait3A_80 = arith.constant 0 : i32
        %dma_wait3A_81 = tpu.memref_slice %arg3[%run_scoped3A_23, %add3A_22, %dma_wait3A_80] : memref<2x2560x125xi32, #tpu.memory_space<hbm>> -> memref<1x40x125xi32, #tpu.memory_space<hbm>>
        %dma_wait3A_82 = tpu.memref_squeeze %dma_wait3A_81 : memref<1x40x125xi32, #tpu.memory_space<hbm>> -> memref<40x125xi32, #tpu.memory_space<hbm>>
        tpu.wait_dma2 semaphore(%run_scoped3A_70 : memref<!tpu.dma_semaphore, #tpu.memory_space<semaphore_mem>>) src(%dma_wait3A_82 : memref<40x125xi32, #tpu.memory_space<hbm>>) dst(%arg7 : memref<40x125xi32, #tpu.memory_space<vmem>>)
        tpu.yield
      }) : () -> ()
      %dma_start3A = arith.constant 0 : i32
      %dma_start3A_24 = arith.constant 0 : i32
      %dma_start3A_25 = tpu.memref_slice %arg6[%dma_start3A, %dma_start3A_24] : memref<40x125xi32, #tpu.memory_space<vmem>> -> memref<1x125xi32, #tpu.memory_space<vmem>>
      %dma_start3A_26 = tpu.memref_squeeze %dma_start3A_25 : memref<1x125xi32, #tpu.memory_space<vmem>> -> memref<125xi32, #tpu.memory_space<vmem>>
      %dma_start3A_27 = arith.constant 0 : i32
      %dma_start3A_28 = arith.constant 0 : i32
      %dma_start3A_29 = tpu.memref_slice %arg12[%dma_start3A_27, %dma_start3A_28] : memref<10240x64xf32, #tpu.memory_space<vmem_shared>> -> memref<10240x64xf32, #tpu.memory_space<vmem_shared>>
      tpu.enqueue_indirect_dma source(%dma_start3A_29 : memref<10240x64xf32, #tpu.memory_space<vmem_shared>>) target(%arg8 : memref<125x64xf32, #tpu.memory_space<vmem>>) offsets(%dma_start3A_26 : memref<125xi32, #tpu.memory_space<vmem>>) semaphore(%arg14 : memref<!tpu.dma_semaphore, #tpu.memory_space<semaphore_mem>>)
      %dma_start3A_30 = arith.constant 1 : i32
      %dma_start3A_31 = arith.constant 0 : i32
      %dma_start3A_32 = tpu.memref_slice %arg6[%dma_start3A_30, %dma_start3A_31] : memref<40x125xi32, #tpu.memory_space<vmem>> -> memref<1x125xi32, #tpu.memory_space<vmem>>
      %dma_start3A_33 = tpu.memref_squeeze %dma_start3A_32 : memref<1x125xi32, #tpu.memory_space<vmem>> -> memref<125xi32, #tpu.memory_space<vmem>>
      %dma_start3A_34 = arith.constant 0 : i32
      %dma_start3A_35 = arith.constant 0 : i32
      %dma_start3A_36 = tpu.memref_slice %arg12[%dma_start3A_34, %dma_start3A_35] : memref<10240x64xf32, #tpu.memory_space<vmem_shared>> -> memref<10240x64xf32, #tpu.memory_space<vmem_shared>>
      tpu.enqueue_indirect_dma source(%dma_start3A_36 : memref<10240x64xf32, #tpu.memory_space<vmem_shared>>) target(%arg9 : memref<125x64xf32, #tpu.memory_space<vmem>>) offsets(%dma_start3A_33 : memref<125xi32, #tpu.memory_space<vmem>>) semaphore(%arg15 : memref<!tpu.dma_semaphore, #tpu.memory_space<semaphore_mem>>)
      %scan3A_37 = arith.constant 0 : i32
      %scan3A_38 = arith.constant 0 : i32
      %scan3A_39 = arith.constant 10 : i32
      %scan3A_40 = arith.addi %scan3A_38, %scan3A_39 : i32
      %scan3A_41 = arith.constant 1 : i32
      scf.for %scan3A_70 = %scan3A_38 to %scan3A_40 step %scan3A_41  : i32 {
        %mul3A_71 = arith.constant 4 : i32
        %mul3A_72 = arith.muli %mul3A_71, %scan3A_70 : i32
        %dma_wait3A_73 = arith.constant 0 : i32
        %dma_wait3A_74 = tpu.memref_slice %arg6[%mul3A_72, %dma_wait3A_73] : memref<40x125xi32, #tpu.memory_space<vmem>> -> memref<1x125xi32, #tpu.memory_space<vmem>>
        %dma_wait3A_75 = tpu.memref_squeeze %dma_wait3A_74 : memref<1x125xi32, #tpu.memory_space<vmem>> -> memref<125xi32, #tpu.memory_space<vmem>>
        %dma_wait3A_76 = arith.constant 0 : i32
        %dma_wait3A_77 = arith.constant 0 : i32
        %dma_wait3A_78 = tpu.memref_slice %arg12[%dma_wait3A_76, %dma_wait3A_77] : memref<10240x64xf32, #tpu.memory_space<vmem_shared>> -> memref<10240x64xf32, #tpu.memory_space<vmem_shared>>
        tpu.wait_indirect_dma semaphore(%arg14 : memref<!tpu.dma_semaphore, #tpu.memory_space<semaphore_mem>>) src(%dma_wait3A_78 : memref<10240x64xf32, #tpu.memory_space<vmem_shared>>) dst(%arg8 : memref<125x64xf32, #tpu.memory_space<vmem>>)
        %dma_start3A_79 = arith.constant 0 : i32
        %dma_start3A_80 = tpu.memref_slice %arg7[%mul3A_72, %dma_start3A_79] : memref<40x125xi32, #tpu.memory_space<vmem>> -> memref<1x125xi32, #tpu.memory_space<vmem>>
        %dma_start3A_81 = tpu.memref_squeeze %dma_start3A_80 : memref<1x125xi32, #tpu.memory_space<vmem>> -> memref<125xi32, #tpu.memory_space<vmem>>
        %dma_start3A_82 = arith.constant 0 : i32
        %dma_start3A_83 = arith.constant 0 : i32
        %dma_start3A_84 = tpu.memref_slice %arg13[%dma_start3A_82, %dma_start3A_83] : memref<10240x64xf32, #tpu.memory_space<vmem_shared>> -> memref<10240x64xf32, #tpu.memory_space<vmem_shared>>
        tpu.enqueue_indirect_dma source(%arg8 : memref<125x64xf32, #tpu.memory_space<vmem>>) target(%dma_start3A_84 : memref<10240x64xf32, #tpu.memory_space<vmem_shared>>) offsets(%dma_start3A_81 : memref<125xi32, #tpu.memory_space<vmem>>) semaphore(%arg18 : memref<!tpu.dma_semaphore, #tpu.memory_space<semaphore_mem>>) {add = true}
        %gt3A = arith.constant 0 : i32
        %gt3A_85 = arith.cmpi sgt, %scan3A_70, %gt3A : i32
        %convert_element_type3A = arith.extui %gt3A_85 : i1 to i32
        %cond3A = arith.constant 0 : i32
        %cond3A_86 = arith.cmpi ne, %convert_element_type3A, %cond3A : i32
        scf.if %cond3A_86 {
          %sub3A = arith.constant 2 : i32
          %sub3A_165 = arith.subi %mul3A_72, %sub3A : i32
          %dma_wait3A_166 = arith.constant 0 : i32
          %dma_wait3A_167 = tpu.memref_slice %arg7[%sub3A_165, %dma_wait3A_166] : memref<40x125xi32, #tpu.memory_space<vmem>> -> memref<1x125xi32, #tpu.memory_space<vmem>>
          %dma_wait3A_168 = tpu.memref_squeeze %dma_wait3A_167 : memref<1x125xi32, #tpu.memory_space<vmem>> -> memref<125xi32, #tpu.memory_space<vmem>>
          %dma_wait3A_169 = arith.constant 0 : i32
          %dma_wait3A_170 = arith.constant 0 : i32
          %dma_wait3A_171 = tpu.memref_slice %arg13[%dma_wait3A_169, %dma_wait3A_170] : memref<10240x64xf32, #tpu.memory_space<vmem_shared>> -> memref<10240x64xf32, #tpu.memory_space<vmem_shared>>
          tpu.wait_indirect_dma semaphore(%arg20 : memref<!tpu.dma_semaphore, #tpu.memory_space<semaphore_mem>>) src(%arg10 : memref<125x64xf32, #tpu.memory_space<vmem>>) dst(%dma_wait3A_171 : memref<10240x64xf32, #tpu.memory_space<vmem_shared>>)
        } else {
        }
        %add3A_87 = arith.constant 2 : i32
        %add3A_88 = arith.addi %mul3A_72, %add3A_87 : i32
        %dma_start3A_89 = arith.constant 0 : i32
        %dma_start3A_90 = tpu.memref_slice %arg6[%add3A_88, %dma_start3A_89] : memref<40x125xi32, #tpu.memory_space<vmem>> -> memref<1x125xi32, #tpu.memory_space<vmem>>
        %dma_start3A_91 = tpu.memref_squeeze %dma_start3A_90 : memref<1x125xi32, #tpu.memory_space<vmem>> -> memref<125xi32, #tpu.memory_space<vmem>>
        %dma_start3A_92 = arith.constant 0 : i32
        %dma_start3A_93 = arith.constant 0 : i32
        %dma_start3A_94 = tpu.memref_slice %arg12[%dma_start3A_92, %dma_start3A_93] : memref<10240x64xf32, #tpu.memory_space<vmem_shared>> -> memref<10240x64xf32, #tpu.memory_space<vmem_shared>>
        tpu.enqueue_indirect_dma source(%dma_start3A_94 : memref<10240x64xf32, #tpu.memory_space<vmem_shared>>) target(%arg10 : memref<125x64xf32, #tpu.memory_space<vmem>>) offsets(%dma_start3A_91 : memref<125xi32, #tpu.memory_space<vmem>>) semaphore(%arg16 : memref<!tpu.dma_semaphore, #tpu.memory_space<semaphore_mem>>)
        %add3A_95 = arith.constant 1 : i32
        %add3A_96 = arith.addi %mul3A_72, %add3A_95 : i32
        %dma_wait3A_97 = arith.constant 0 : i32
        %dma_wait3A_98 = tpu.memref_slice %arg6[%add3A_96, %dma_wait3A_97] : memref<40x125xi32, #tpu.memory_space<vmem>> -> memref<1x125xi32, #tpu.memory_space<vmem>>
        %dma_wait3A_99 = tpu.memref_squeeze %dma_wait3A_98 : memref<1x125xi32, #tpu.memory_space<vmem>> -> memref<125xi32, #tpu.memory_space<vmem>>
        %dma_wait3A_100 = arith.constant 0 : i32
        %dma_wait3A_101 = arith.constant 0 : i32
        %dma_wait3A_102 = tpu.memref_slice %arg12[%dma_wait3A_100, %dma_wait3A_101] : memref<10240x64xf32, #tpu.memory_space<vmem_shared>> -> memref<10240x64xf32, #tpu.memory_space<vmem_shared>>
        tpu.wait_indirect_dma semaphore(%arg15 : memref<!tpu.dma_semaphore, #tpu.memory_space<semaphore_mem>>) src(%dma_wait3A_102 : memref<10240x64xf32, #tpu.memory_space<vmem_shared>>) dst(%arg9 : memref<125x64xf32, #tpu.memory_space<vmem>>)
        %add3A_103 = arith.constant 1 : i32
        %add3A_104 = arith.addi %mul3A_72, %add3A_103 : i32
        %dma_start3A_105 = arith.constant 0 : i32
        %dma_start3A_106 = tpu.memref_slice %arg7[%add3A_104, %dma_start3A_105] : memref<40x125xi32, #tpu.memory_space<vmem>> -> memref<1x125xi32, #tpu.memory_space<vmem>>
        %dma_start3A_107 = tpu.memref_squeeze %dma_start3A_106 : memref<1x125xi32, #tpu.memory_space<vmem>> -> memref<125xi32, #tpu.memory_space<vmem>>
        %dma_start3A_108 = arith.constant 0 : i32
        %dma_start3A_109 = arith.constant 0 : i32
        %dma_start3A_110 = tpu.memref_slice %arg13[%dma_start3A_108, %dma_start3A_109] : memref<10240x64xf32, #tpu.memory_space<vmem_shared>> -> memref<10240x64xf32, #tpu.memory_space<vmem_shared>>
        tpu.enqueue_indirect_dma source(%arg9 : memref<125x64xf32, #tpu.memory_space<vmem>>) target(%dma_start3A_110 : memref<10240x64xf32, #tpu.memory_space<vmem_shared>>) offsets(%dma_start3A_107 : memref<125xi32, #tpu.memory_space<vmem>>) semaphore(%arg19 : memref<!tpu.dma_semaphore, #tpu.memory_space<semaphore_mem>>) {add = true}
        %gt3A_111 = arith.constant 0 : i32
        %gt3A_112 = arith.cmpi sgt, %scan3A_70, %gt3A_111 : i32
        %convert_element_type3A_113 = arith.extui %gt3A_112 : i1 to i32
        %cond3A_114 = arith.constant 0 : i32
        %cond3A_115 = arith.cmpi ne, %convert_element_type3A_113, %cond3A_114 : i32
        scf.if %cond3A_115 {
          %sub3A = arith.constant 1 : i32
          %sub3A_165 = arith.subi %mul3A_72, %sub3A : i32
          %dma_wait3A_166 = arith.constant 0 : i32
          %dma_wait3A_167 = tpu.memref_slice %arg7[%sub3A_165, %dma_wait3A_166] : memref<40x125xi32, #tpu.memory_space<vmem>> -> memref<1x125xi32, #tpu.memory_space<vmem>>
          %dma_wait3A_168 = tpu.memref_squeeze %dma_wait3A_167 : memref<1x125xi32, #tpu.memory_space<vmem>> -> memref<125xi32, #tpu.memory_space<vmem>>
          %dma_wait3A_169 = arith.constant 0 : i32
          %dma_wait3A_170 = arith.constant 0 : i32
          %dma_wait3A_171 = tpu.memref_slice %arg13[%dma_wait3A_169, %dma_wait3A_170] : memref<10240x64xf32, #tpu.memory_space<vmem_shared>> -> memref<10240x64xf32, #tpu.memory_space<vmem_shared>>
          tpu.wait_indirect_dma semaphore(%arg21 : memref<!tpu.dma_semaphore, #tpu.memory_space<semaphore_mem>>) src(%arg11 : memref<125x64xf32, #tpu.memory_space<vmem>>) dst(%dma_wait3A_171 : memref<10240x64xf32, #tpu.memory_space<vmem_shared>>)
        } else {
        }
        %add3A_116 = arith.constant 3 : i32
        %add3A_117 = arith.addi %mul3A_72, %add3A_116 : i32
        %dma_start3A_118 = arith.constant 0 : i32
        %dma_start3A_119 = tpu.memref_slice %arg6[%add3A_117, %dma_start3A_118] : memref<40x125xi32, #tpu.memory_space<vmem>> -> memref<1x125xi32, #tpu.memory_space<vmem>>
        %dma_start3A_120 = tpu.memref_squeeze %dma_start3A_119 : memref<1x125xi32, #tpu.memory_space<vmem>> -> memref<125xi32, #tpu.memory_space<vmem>>
        %dma_start3A_121 = arith.constant 0 : i32
        %dma_start3A_122 = arith.constant 0 : i32
        %dma_start3A_123 = tpu.memref_slice %arg12[%dma_start3A_121, %dma_start3A_122] : memref<10240x64xf32, #tpu.memory_space<vmem_shared>> -> memref<10240x64xf32, #tpu.memory_space<vmem_shared>>
        tpu.enqueue_indirect_dma source(%dma_start3A_123 : memref<10240x64xf32, #tpu.memory_space<vmem_shared>>) target(%arg11 : memref<125x64xf32, #tpu.memory_space<vmem>>) offsets(%dma_start3A_120 : memref<125xi32, #tpu.memory_space<vmem>>) semaphore(%arg17 : memref<!tpu.dma_semaphore, #tpu.memory_space<semaphore_mem>>)
        %add3A_124 = arith.constant 2 : i32
        %add3A_125 = arith.addi %mul3A_72, %add3A_124 : i32
        %dma_wait3A_126 = arith.constant 0 : i32
        %dma_wait3A_127 = tpu.memref_slice %arg6[%add3A_125, %dma_wait3A_126] : memref<40x125xi32, #tpu.memory_space<vmem>> -> memref<1x125xi32, #tpu.memory_space<vmem>>
        %dma_wait3A_128 = tpu.memref_squeeze %dma_wait3A_127 : memref<1x125xi32, #tpu.memory_space<vmem>> -> memref<125xi32, #tpu.memory_space<vmem>>
        %dma_wait3A_129 = arith.constant 0 : i32
        %dma_wait3A_130 = arith.constant 0 : i32
        %dma_wait3A_131 = tpu.memref_slice %arg12[%dma_wait3A_129, %dma_wait3A_130] : memref<10240x64xf32, #tpu.memory_space<vmem_shared>> -> memref<10240x64xf32, #tpu.memory_space<vmem_shared>>
        tpu.wait_indirect_dma semaphore(%arg16 : memref<!tpu.dma_semaphore, #tpu.memory_space<semaphore_mem>>) src(%dma_wait3A_131 : memref<10240x64xf32, #tpu.memory_space<vmem_shared>>) dst(%arg10 : memref<125x64xf32, #tpu.memory_space<vmem>>)
        %add3A_132 = arith.constant 2 : i32
        %add3A_133 = arith.addi %mul3A_72, %add3A_132 : i32
        %dma_start3A_134 = arith.constant 0 : i32
        %dma_start3A_135 = tpu.memref_slice %arg7[%add3A_133, %dma_start3A_134] : memref<40x125xi32, #tpu.memory_space<vmem>> -> memref<1x125xi32, #tpu.memory_space<vmem>>
        %dma_start3A_136 = tpu.memref_squeeze %dma_start3A_135 : memref<1x125xi32, #tpu.memory_space<vmem>> -> memref<125xi32, #tpu.memory_space<vmem>>
        %dma_start3A_137 = arith.constant 0 : i32
        %dma_start3A_138 = arith.constant 0 : i32
        %dma_start3A_139 = tpu.memref_slice %arg13[%dma_start3A_137, %dma_start3A_138] : memref<10240x64xf32, #tpu.memory_space<vmem_shared>> -> memref<10240x64xf32, #tpu.memory_space<vmem_shared>>
        tpu.enqueue_indirect_dma source(%arg10 : memref<125x64xf32, #tpu.memory_space<vmem>>) target(%dma_start3A_139 : memref<10240x64xf32, #tpu.memory_space<vmem_shared>>) offsets(%dma_start3A_136 : memref<125xi32, #tpu.memory_space<vmem>>) semaphore(%arg20 : memref<!tpu.dma_semaphore, #tpu.memory_space<semaphore_mem>>) {add = true}
        %lt3A = arith.constant 9 : i32
        %lt3A_140 = arith.cmpi slt, %scan3A_70, %lt3A : i32
        %convert_element_type3A_141 = arith.extui %lt3A_140 : i1 to i32
        %cond3A_142 = arith.constant 0 : i32
        %cond3A_143 = arith.cmpi ne, %convert_element_type3A_141, %cond3A_142 : i32
        scf.if %cond3A_143 {
          %dma_wait3A_165 = arith.constant 0 : i32
          %dma_wait3A_166 = tpu.memref_slice %arg7[%mul3A_72, %dma_wait3A_165] : memref<40x125xi32, #tpu.memory_space<vmem>> -> memref<1x125xi32, #tpu.memory_space<vmem>>
          %dma_wait3A_167 = tpu.memref_squeeze %dma_wait3A_166 : memref<1x125xi32, #tpu.memory_space<vmem>> -> memref<125xi32, #tpu.memory_space<vmem>>
          %dma_wait3A_168 = arith.constant 0 : i32
          %dma_wait3A_169 = arith.constant 0 : i32
          %dma_wait3A_170 = tpu.memref_slice %arg13[%dma_wait3A_168, %dma_wait3A_169] : memref<10240x64xf32, #tpu.memory_space<vmem_shared>> -> memref<10240x64xf32, #tpu.memory_space<vmem_shared>>
          tpu.wait_indirect_dma semaphore(%arg18 : memref<!tpu.dma_semaphore, #tpu.memory_space<semaphore_mem>>) src(%arg8 : memref<125x64xf32, #tpu.memory_space<vmem>>) dst(%dma_wait3A_170 : memref<10240x64xf32, #tpu.memory_space<vmem_shared>>)
          %add3A_171 = arith.constant 4 : i32
          %add3A_172 = arith.addi %mul3A_72, %add3A_171 : i32
          %dma_start3A_173 = arith.constant 0 : i32
          %dma_start3A_174 = tpu.memref_slice %arg6[%add3A_172, %dma_start3A_173] : memref<40x125xi32, #tpu.memory_space<vmem>> -> memref<1x125xi32, #tpu.memory_space<vmem>>
          %dma_start3A_175 = tpu.memref_squeeze %dma_start3A_174 : memref<1x125xi32, #tpu.memory_space<vmem>> -> memref<125xi32, #tpu.memory_space<vmem>>
          %dma_start3A_176 = arith.constant 0 : i32
          %dma_start3A_177 = arith.constant 0 : i32
          %dma_start3A_178 = tpu.memref_slice %arg12[%dma_start3A_176, %dma_start3A_177] : memref<10240x64xf32, #tpu.memory_space<vmem_shared>> -> memref<10240x64xf32, #tpu.memory_space<vmem_shared>>
          tpu.enqueue_indirect_dma source(%dma_start3A_178 : memref<10240x64xf32, #tpu.memory_space<vmem_shared>>) target(%arg8 : memref<125x64xf32, #tpu.memory_space<vmem>>) offsets(%dma_start3A_175 : memref<125xi32, #tpu.memory_space<vmem>>) semaphore(%arg14 : memref<!tpu.dma_semaphore, #tpu.memory_space<semaphore_mem>>)
        } else {
        }
        %add3A_144 = arith.constant 3 : i32
        %add3A_145 = arith.addi %mul3A_72, %add3A_144 : i32
        %dma_wait3A_146 = arith.constant 0 : i32
        %dma_wait3A_147 = tpu.memref_slice %arg6[%add3A_145, %dma_wait3A_146] : memref<40x125xi32, #tpu.memory_space<vmem>> -> memref<1x125xi32, #tpu.memory_space<vmem>>
        %dma_wait3A_148 = tpu.memref_squeeze %dma_wait3A_147 : memref<1x125xi32, #tpu.memory_space<vmem>> -> memref<125xi32, #tpu.memory_space<vmem>>
        %dma_wait3A_149 = arith.constant 0 : i32
        %dma_wait3A_150 = arith.constant 0 : i32
        %dma_wait3A_151 = tpu.memref_slice %arg12[%dma_wait3A_149, %dma_wait3A_150] : memref<10240x64xf32, #tpu.memory_space<vmem_shared>> -> memref<10240x64xf32, #tpu.memory_space<vmem_shared>>
        tpu.wait_indirect_dma semaphore(%arg17 : memref<!tpu.dma_semaphore, #tpu.memory_space<semaphore_mem>>) src(%dma_wait3A_151 : memref<10240x64xf32, #tpu.memory_space<vmem_shared>>) dst(%arg11 : memref<125x64xf32, #tpu.memory_space<vmem>>)
        %add3A_152 = arith.constant 3 : i32
        %add3A_153 = arith.addi %mul3A_72, %add3A_152 : i32
        %dma_start3A_154 = arith.constant 0 : i32
        %dma_start3A_155 = tpu.memref_slice %arg7[%add3A_153, %dma_start3A_154] : memref<40x125xi32, #tpu.memory_space<vmem>> -> memref<1x125xi32, #tpu.memory_space<vmem>>
        %dma_start3A_156 = tpu.memref_squeeze %dma_start3A_155 : memref<1x125xi32, #tpu.memory_space<vmem>> -> memref<125xi32, #tpu.memory_space<vmem>>
        %dma_start3A_157 = arith.constant 0 : i32
        %dma_start3A_158 = arith.constant 0 : i32
        %dma_start3A_159 = tpu.memref_slice %arg13[%dma_start3A_157, %dma_start3A_158] : memref<10240x64xf32, #tpu.memory_space<vmem_shared>> -> memref<10240x64xf32, #tpu.memory_space<vmem_shared>>
        tpu.enqueue_indirect_dma source(%arg11 : memref<125x64xf32, #tpu.memory_space<vmem>>) target(%dma_start3A_159 : memref<10240x64xf32, #tpu.memory_space<vmem_shared>>) offsets(%dma_start3A_156 : memref<125xi32, #tpu.memory_space<vmem>>) semaphore(%arg21 : memref<!tpu.dma_semaphore, #tpu.memory_space<semaphore_mem>>) {add = true}
        %lt3A_160 = arith.constant 9 : i32
        %lt3A_161 = arith.cmpi slt, %scan3A_70, %lt3A_160 : i32
        %convert_element_type3A_162 = arith.extui %lt3A_161 : i1 to i32
        %cond3A_163 = arith.constant 0 : i32
        %cond3A_164 = arith.cmpi ne, %convert_element_type3A_162, %cond3A_163 : i32
        scf.if %cond3A_164 {
          %add3A_165 = arith.constant 1 : i32
          %add3A_166 = arith.addi %mul3A_72, %add3A_165 : i32
          %dma_wait3A_167 = arith.constant 0 : i32
          %dma_wait3A_168 = tpu.memref_slice %arg7[%add3A_166, %dma_wait3A_167] : memref<40x125xi32, #tpu.memory_space<vmem>> -> memref<1x125xi32, #tpu.memory_space<vmem>>
          %dma_wait3A_169 = tpu.memref_squeeze %dma_wait3A_168 : memref<1x125xi32, #tpu.memory_space<vmem>> -> memref<125xi32, #tpu.memory_space<vmem>>
          %dma_wait3A_170 = arith.constant 0 : i32
          %dma_wait3A_171 = arith.constant 0 : i32
          %dma_wait3A_172 = tpu.memref_slice %arg13[%dma_wait3A_170, %dma_wait3A_171] : memref<10240x64xf32, #tpu.memory_space<vmem_shared>> -> memref<10240x64xf32, #tpu.memory_space<vmem_shared>>
          tpu.wait_indirect_dma semaphore(%arg19 : memref<!tpu.dma_semaphore, #tpu.memory_space<semaphore_mem>>) src(%arg9 : memref<125x64xf32, #tpu.memory_space<vmem>>) dst(%dma_wait3A_172 : memref<10240x64xf32, #tpu.memory_space<vmem_shared>>)
          %add3A_173 = arith.constant 5 : i32
          %add3A_174 = arith.addi %mul3A_72, %add3A_173 : i32
          %dma_start3A_175 = arith.constant 0 : i32
          %dma_start3A_176 = tpu.memref_slice %arg6[%add3A_174, %dma_start3A_175] : memref<40x125xi32, #tpu.memory_space<vmem>> -> memref<1x125xi32, #tpu.memory_space<vmem>>
          %dma_start3A_177 = tpu.memref_squeeze %dma_start3A_176 : memref<1x125xi32, #tpu.memory_space<vmem>> -> memref<125xi32, #tpu.memory_space<vmem>>
          %dma_start3A_178 = arith.constant 0 : i32
          %dma_start3A_179 = arith.constant 0 : i32
          %dma_start3A_180 = tpu.memref_slice %arg12[%dma_start3A_178, %dma_start3A_179] : memref<10240x64xf32, #tpu.memory_space<vmem_shared>> -> memref<10240x64xf32, #tpu.memory_space<vmem_shared>>
          tpu.enqueue_indirect_dma source(%dma_start3A_180 : memref<10240x64xf32, #tpu.memory_space<vmem_shared>>) target(%arg9 : memref<125x64xf32, #tpu.memory_space<vmem>>) offsets(%dma_start3A_177 : memref<125xi32, #tpu.memory_space<vmem>>) semaphore(%arg15 : memref<!tpu.dma_semaphore, #tpu.memory_space<semaphore_mem>>)
        } else {
        }
      }
      %scan3A_42 = arith.constant 10 : i32
      %dma_wait3A = arith.constant 36 : i32
      %dma_wait3A_43 = arith.constant 0 : i32
      %dma_wait3A_44 = tpu.memref_slice %arg7[%dma_wait3A, %dma_wait3A_43] : memref<40x125xi32, #tpu.memory_space<vmem>> -> memref<1x125xi32, #tpu.memory_space<vmem>>
      %dma_wait3A_45 = tpu.memref_squeeze %dma_wait3A_44 : memref<1x125xi32, #tpu.memory_space<vmem>> -> memref<125xi32, #tpu.memory_space<vmem>>
      %dma_wait3A_46 = arith.constant 0 : i32
      %dma_wait3A_47 = arith.constant 0 : i32
      %dma_wait3A_48 = tpu.memref_slice %arg13[%dma_wait3A_46, %dma_wait3A_47] : memref<10240x64xf32, #tpu.memory_space<vmem_shared>> -> memref<10240x64xf32, #tpu.memory_space<vmem_shared>>
      tpu.wait_indirect_dma semaphore(%arg18 : memref<!tpu.dma_semaphore, #tpu.memory_space<semaphore_mem>>) src(%arg8 : memref<125x64xf32, #tpu.memory_space<vmem>>) dst(%dma_wait3A_48 : memref<10240x64xf32, #tpu.memory_space<vmem_shared>>)
      %dma_wait3A_49 = arith.constant 37 : i32
      %dma_wait3A_50 = arith.constant 0 : i32
      %dma_wait3A_51 = tpu.memref_slice %arg7[%dma_wait3A_49, %dma_wait3A_50] : memref<40x125xi32, #tpu.memory_space<vmem>> -> memref<1x125xi32, #tpu.memory_space<vmem>>
      %dma_wait3A_52 = tpu.memref_squeeze %dma_wait3A_51 : memref<1x125xi32, #tpu.memory_space<vmem>> -> memref<125xi32, #tpu.memory_space<vmem>>
      %dma_wait3A_53 = arith.constant 0 : i32
      %dma_wait3A_54 = arith.constant 0 : i32
      %dma_wait3A_55 = tpu.memref_slice %arg13[%dma_wait3A_53, %dma_wait3A_54] : memref<10240x64xf32, #tpu.memory_space<vmem_shared>> -> memref<10240x64xf32, #tpu.memory_space<vmem_shared>>
      tpu.wait_indirect_dma semaphore(%arg19 : memref<!tpu.dma_semaphore, #tpu.memory_space<semaphore_mem>>) src(%arg9 : memref<125x64xf32, #tpu.memory_space<vmem>>) dst(%dma_wait3A_55 : memref<10240x64xf32, #tpu.memory_space<vmem_shared>>)
      %dma_wait3A_56 = arith.constant 38 : i32
      %dma_wait3A_57 = arith.constant 0 : i32
      %dma_wait3A_58 = tpu.memref_slice %arg7[%dma_wait3A_56, %dma_wait3A_57] : memref<40x125xi32, #tpu.memory_space<vmem>> -> memref<1x125xi32, #tpu.memory_space<vmem>>
      %dma_wait3A_59 = tpu.memref_squeeze %dma_wait3A_58 : memref<1x125xi32, #tpu.memory_space<vmem>> -> memref<125xi32, #tpu.memory_space<vmem>>
      %dma_wait3A_60 = arith.constant 0 : i32
      %dma_wait3A_61 = arith.constant 0 : i32
      %dma_wait3A_62 = tpu.memref_slice %arg13[%dma_wait3A_60, %dma_wait3A_61] : memref<10240x64xf32, #tpu.memory_space<vmem_shared>> -> memref<10240x64xf32, #tpu.memory_space<vmem_shared>>
      tpu.wait_indirect_dma semaphore(%arg20 : memref<!tpu.dma_semaphore, #tpu.memory_space<semaphore_mem>>) src(%arg10 : memref<125x64xf32, #tpu.memory_space<vmem>>) dst(%dma_wait3A_62 : memref<10240x64xf32, #tpu.memory_space<vmem_shared>>)
      %dma_wait3A_63 = arith.constant 39 : i32
      %dma_wait3A_64 = arith.constant 0 : i32
      %dma_wait3A_65 = tpu.memref_slice %arg7[%dma_wait3A_63, %dma_wait3A_64] : memref<40x125xi32, #tpu.memory_space<vmem>> -> memref<1x125xi32, #tpu.memory_space<vmem>>
      %dma_wait3A_66 = tpu.memref_squeeze %dma_wait3A_65 : memref<1x125xi32, #tpu.memory_space<vmem>> -> memref<125xi32, #tpu.memory_space<vmem>>
      %dma_wait3A_67 = arith.constant 0 : i32
      %dma_wait3A_68 = arith.constant 0 : i32
      %dma_wait3A_69 = tpu.memref_slice %arg13[%dma_wait3A_67, %dma_wait3A_68] : memref<10240x64xf32, #tpu.memory_space<vmem_shared>> -> memref<10240x64xf32, #tpu.memory_space<vmem_shared>>
      tpu.wait_indirect_dma semaphore(%arg21 : memref<!tpu.dma_semaphore, #tpu.memory_space<semaphore_mem>>) src(%arg11 : memref<125x64xf32, #tpu.memory_space<vmem>>) dst(%dma_wait3A_69 : memref<10240x64xf32, #tpu.memory_space<vmem_shared>>)
    }
    %scan3A_15 = arith.constant 2 : i32
    %barrier3A_16 = arith.constant 0 : index
    tpu.barrier barrier_id(%barrier3A_16)
    "tpu.region"() ({
      %run_scoped3A = tpu.sem_alloc : memref<!tpu.dma_semaphore, #tpu.memory_space<semaphore_mem>>
      %dma_start3A = arith.constant 64 : i32
      %dma_start3A_17 = tpu.memref_slice %arg5[%arg0, %mul3A_2, %dma_start3A] : memref<2x10240x128xf32, #tpu.memory_space<hbm>> -> memref<1x640x64xf32, #tpu.memory_space<hbm>>
      %dma_start3A_18 = tpu.memref_squeeze %dma_start3A_17 : memref<1x640x64xf32, #tpu.memory_space<hbm>> -> memref<640x64xf32, #tpu.memory_space<hbm>>
      %dma_start3A_19 = arith.constant 0 : i32
      %dma_start3A_20 = tpu.memref_slice %arg13[%mul3A_2, %dma_start3A_19] : memref<10240x64xf32, #tpu.memory_space<vmem_shared>> -> memref<640x64xf32, #tpu.memory_space<vmem_shared>>
      tpu.enqueue_dma source(%dma_start3A_20 : memref<640x64xf32, #tpu.memory_space<vmem_shared>>) target(%dma_start3A_18 : memref<640x64xf32, #tpu.memory_space<hbm>>) target_semaphore(%run_scoped3A : memref<!tpu.dma_semaphore, #tpu.memory_space<semaphore_mem>>)
      %dma_wait3A = arith.constant 64 : i32
      %dma_wait3A_21 = tpu.memref_slice %arg5[%arg0, %mul3A_2, %dma_wait3A] : memref<2x10240x128xf32, #tpu.memory_space<hbm>> -> memref<1x640x64xf32, #tpu.memory_space<hbm>>
      %dma_wait3A_22 = tpu.memref_squeeze %dma_wait3A_21 : memref<1x640x64xf32, #tpu.memory_space<hbm>> -> memref<640x64xf32, #tpu.memory_space<hbm>>
      %dma_wait3A_23 = arith.constant 0 : i32
      %dma_wait3A_24 = tpu.memref_slice %arg13[%mul3A_2, %dma_wait3A_23] : memref<10240x64xf32, #tpu.memory_space<vmem_shared>> -> memref<640x64xf32, #tpu.memory_space<vmem_shared>>
      tpu.wait_dma2 semaphore(%run_scoped3A : memref<!tpu.dma_semaphore, #tpu.memory_space<semaphore_mem>>) src(%dma_wait3A_24 : memref<640x64xf32, #tpu.memory_space<vmem_shared>>) dst(%dma_wait3A_22 : memref<640x64xf32, #tpu.memory_space<hbm>>)
      tpu.yield
    }) : () -> ()
    return
  }
}

module attributes {stable_mosaic.version = 14 : i64} {
  func.func @_tc_pre(%arg0: memref<10000x128xf32, #tpu.memory_space<vmem>>, %arg1: memref<128x128xf32, #tpu.memory_space<vmem>>, %arg2: memref<10000x2xf32, #tpu.memory_space<vmem>>, %arg3: memref<10240x128xf32, #tpu.memory_space<vmem>>) attributes {dimension_semantics = [], scalar_prefetch = 0 : i64, scratch_operands = 0 : i64, tpu.core_type = #tpu.core_type<tc>} {
    %get3A = arith.constant 0 : index
    %get3A_0 = arith.constant 0 : index
    %get3A_1 = vector.load %arg2[%get3A, %get3A_0] : memref<10000x2xf32, #tpu.memory_space<vmem>>, vector<10000x1xf32>
    %get3A_2 = arith.constant 0 : index
    %get3A_3 = arith.constant 1 : index
    %get3A_4 = vector.load %arg2[%get3A_2, %get3A_3] : memref<10000x2xf32, #tpu.memory_space<vmem>>, vector<10000x1xf32>
    %add3A = arith.addf %get3A_1, %get3A_4 : vector<10000x1xf32>
    %add3A_5 = arith.constant 1.000000e+00 : f32
    %add3A_6 = vector.broadcast %add3A_5 : f32 to vector<10000x1xf32>
    %add3A_7 = arith.addf %add3A, %add3A_6 : vector<10000x1xf32>
    %rsqrt3A = math.rsqrt %add3A_7 : vector<10000x1xf32>
    %get3A_8 = arith.constant 0 : index
    %get3A_9 = arith.constant 0 : index
    %get3A_10 = vector.load %arg0[%get3A_8, %get3A_9] : memref<10000x128xf32, #tpu.memory_space<vmem>>, vector<10000x128xf32>
    %get3A_11 = arith.constant 0 : index
    %get3A_12 = arith.constant 0 : index
    %get3A_13 = vector.load %arg1[%get3A_11, %get3A_12] : memref<128x128xf32, #tpu.memory_space<vmem>>, vector<128x128xf32>
    %dot_general3A = arith.constant dense<0.000000e+00> : vector<10000x128xf32>
    %dot_general3A_14 = tpu.matmul %get3A_10, %get3A_13, %dot_general3A {dimension_numbers = #tpu.dot_dimension_numbers<[1], [0], [0], [1], [0, 0, 1, 1], [], []>, transpose_lhs_hint = false} : vector<10000x128xf32>, vector<128x128xf32>, vector<10000x128xf32> -> vector<10000x128xf32>
    %mul3A = vector.broadcast %rsqrt3A : vector<10000x1xf32> to vector<10000x128xf32>
    %mul3A_15 = arith.mulf %dot_general3A_14, %mul3A : vector<10000x128xf32>
    %swap3A = arith.constant 0 : index
    %swap3A_16 = arith.constant 0 : index
    %swap3A_17 = vector.load %arg3[%swap3A, %swap3A_16] : memref<10240x128xf32, #tpu.memory_space<vmem>>, vector<10000x128xf32>
    tpu.vector_store %arg3[%swap3A, %swap3A_16], %mul3A_15 {strides = array<i32>} : memref<10240x128xf32, #tpu.memory_space<vmem>>, vector<10000x128xf32>,
    %broadcast_in_dim3A = arith.constant 0.000000e+00 : f32
    %broadcast_in_dim3A_18 = vector.broadcast %broadcast_in_dim3A : f32 to vector<240x128xf32>
    %swap3A_19 = arith.constant 10000 : index
    %swap3A_20 = arith.constant 0 : index
    %swap3A_21 = vector.load %arg3[%swap3A_19, %swap3A_20] : memref<10240x128xf32, #tpu.memory_space<vmem>>, vector<240x128xf32>
    tpu.vector_store %arg3[%swap3A_19, %swap3A_20], %broadcast_in_dim3A_18 {strides = array<i32>} : memref<10240x128xf32, #tpu.memory_space<vmem>>, vector<240x128xf32>,
    return
  }
}

module attributes {stable_mosaic.version = 14 : i64} {
  func.func @_tc_mid(%arg0: memref<2x10240x128xf32, #tpu.memory_space<vmem>>, %arg1: memref<10240x128xf32, #tpu.memory_space<vmem>>, %arg2: memref<10000x2xf32, #tpu.memory_space<vmem>>, %arg3: memref<128x128xf32, #tpu.memory_space<vmem>>, %arg4: memref<128xf32, #tpu.memory_space<vmem>>, %arg5: memref<10240x128xf32, #tpu.memory_space<vmem>>) attributes {dimension_semantics = [], scalar_prefetch = 0 : i64, scratch_operands = 0 : i64, tpu.core_type = #tpu.core_type<tc>} {
    %get3A = arith.constant 0 : index
    %get3A_0 = arith.constant 0 : index
    %get3A_1 = vector.load %arg2[%get3A, %get3A_0] : memref<10000x2xf32, #tpu.memory_space<vmem>>, vector<10000x1xf32>
    %get3A_2 = arith.constant 0 : index
    %get3A_3 = arith.constant 1 : index
    %get3A_4 = vector.load %arg2[%get3A_2, %get3A_3] : memref<10000x2xf32, #tpu.memory_space<vmem>>, vector<10000x1xf32>
    %add3A = arith.addf %get3A_1, %get3A_4 : vector<10000x1xf32>
    %add3A_5 = arith.constant 1.000000e+00 : f32
    %add3A_6 = vector.broadcast %add3A_5 : f32 to vector<10000x1xf32>
    %add3A_7 = arith.addf %add3A, %add3A_6 : vector<10000x1xf32>
    %rsqrt3A = math.rsqrt %add3A_7 : vector<10000x1xf32>
    %get3A_8 = arith.constant 0 : index
    %get3A_9 = arith.constant 0 : index
    %get3A_10 = arith.constant 0 : index
    %get3A_11 = vector.load %arg0[%get3A_8, %get3A_9, %get3A_10] : memref<2x10240x128xf32, #tpu.memory_space<vmem>>, vector<1x10000x128xf32>
    %get3A_12 = vector.shape_cast %get3A_11 : vector<1x10000x128xf32> to vector<10000x128xf32>
    %get3A_13 = arith.constant 1 : index
    %get3A_14 = arith.constant 0 : index
    %get3A_15 = arith.constant 0 : index
    %get3A_16 = vector.load %arg0[%get3A_13, %get3A_14, %get3A_15] : memref<2x10240x128xf32, #tpu.memory_space<vmem>>, vector<1x10000x128xf32>
    %get3A_17 = vector.shape_cast %get3A_16 : vector<1x10000x128xf32> to vector<10000x128xf32>
    %add3A_18 = arith.addf %get3A_12, %get3A_17 : vector<10000x128xf32>
    %get3A_19 = arith.constant 0 : index
    %get3A_20 = arith.constant 0 : index
    %get3A_21 = vector.load %arg1[%get3A_19, %get3A_20] : memref<10240x128xf32, #tpu.memory_space<vmem>>, vector<10000x128xf32>
    %add3A_22 = arith.addf %add3A_18, %get3A_21 : vector<10000x128xf32>
    %mul3A = vector.broadcast %rsqrt3A : vector<10000x1xf32> to vector<10000x128xf32>
    %mul3A_23 = arith.mulf %mul3A, %add3A_22 : vector<10000x128xf32>
    %get3A_24 = arith.constant 0 : index
    %get3A_25 = vector.load %arg4[%get3A_24] : memref<128xf32, #tpu.memory_space<vmem>>, vector<128xf32>
    %broadcast_in_dim3A = vector.shape_cast %get3A_25 : vector<128xf32> to vector<1x128xf32>
    %add3A_26 = vector.broadcast %broadcast_in_dim3A : vector<1x128xf32> to vector<10000x128xf32>
    %add3A_27 = arith.addf %mul3A_23, %add3A_26 : vector<10000x128xf32>
    %max3A = arith.constant 0.000000e+00 : f32
    %max3A_28 = vector.broadcast %max3A : f32 to vector<10000x128xf32>
    %max3A_29 = arith.maximumf %add3A_27, %max3A_28 : vector<10000x128xf32>
    %get3A_30 = arith.constant 0 : index
    %get3A_31 = arith.constant 0 : index
    %get3A_32 = vector.load %arg3[%get3A_30, %get3A_31] : memref<128x128xf32, #tpu.memory_space<vmem>>, vector<128x128xf32>
    %dot_general3A = arith.constant dense<0.000000e+00> : vector<10000x128xf32>
    %dot_general3A_33 = tpu.matmul %max3A_29, %get3A_32, %dot_general3A {dimension_numbers = #tpu.dot_dimension_numbers<[1], [0], [0], [1], [0, 0, 1, 1], [], []>, transpose_lhs_hint = false} : vector<10000x128xf32>, vector<128x128xf32>, vector<10000x128xf32> -> vector<10000x128xf32>
    %mul3A_34 = vector.broadcast %rsqrt3A : vector<10000x1xf32> to vector<10000x128xf32>
    %mul3A_35 = arith.mulf %dot_general3A_33, %mul3A_34 : vector<10000x128xf32>
    %swap3A = arith.constant 0 : index
    %swap3A_36 = arith.constant 0 : index
    %swap3A_37 = vector.load %arg5[%swap3A, %swap3A_36] : memref<10240x128xf32, #tpu.memory_space<vmem>>, vector<10000x128xf32>
    tpu.vector_store %arg5[%swap3A, %swap3A_36], %mul3A_35 {strides = array<i32>} : memref<10240x128xf32, #tpu.memory_space<vmem>>, vector<10000x128xf32>,
    %broadcast_in_dim3A_38 = arith.constant 0.000000e+00 : f32
    %broadcast_in_dim3A_39 = vector.broadcast %broadcast_in_dim3A_38 : f32 to vector<240x128xf32>
    %swap3A_40 = arith.constant 10000 : index
    %swap3A_41 = arith.constant 0 : index
    %swap3A_42 = vector.load %arg5[%swap3A_40, %swap3A_41] : memref<10240x128xf32, #tpu.memory_space<vmem>>, vector<240x128xf32>
    tpu.vector_store %arg5[%swap3A_40, %swap3A_41], %broadcast_in_dim3A_39 {strides = array<i32>} : memref<10240x128xf32, #tpu.memory_space<vmem>>, vector<240x128xf32>,
    return
  }
}

module attributes {stable_mosaic.version = 14 : i64} {
  func.func @_tc_post(%arg0: memref<2x10240x128xf32, #tpu.memory_space<vmem>>, %arg1: memref<10240x128xf32, #tpu.memory_space<vmem>>, %arg2: memref<10000x2xf32, #tpu.memory_space<vmem>>, %arg3: memref<48xf32, #tpu.memory_space<vmem>>, %arg4: memref<10000x47xf32, #tpu.memory_space<vmem>>) attributes {dimension_semantics = [], scalar_prefetch = 0 : i64, scratch_operands = 0 : i64, tpu.core_type = #tpu.core_type<tc>} {
    %get3A = arith.constant 0 : index
    %get3A_0 = arith.constant 0 : index
    %get3A_1 = vector.load %arg2[%get3A, %get3A_0] : memref<10000x2xf32, #tpu.memory_space<vmem>>, vector<10000x1xf32>
    %get3A_2 = arith.constant 0 : index
    %get3A_3 = arith.constant 1 : index
    %get3A_4 = vector.load %arg2[%get3A_2, %get3A_3] : memref<10000x2xf32, #tpu.memory_space<vmem>>, vector<10000x1xf32>
    %add3A = arith.addf %get3A_1, %get3A_4 : vector<10000x1xf32>
    %add3A_5 = arith.constant 1.000000e+00 : f32
    %add3A_6 = vector.broadcast %add3A_5 : f32 to vector<10000x1xf32>
    %add3A_7 = arith.addf %add3A, %add3A_6 : vector<10000x1xf32>
    %rsqrt3A = math.rsqrt %add3A_7 : vector<10000x1xf32>
    %get3A_8 = arith.constant 0 : index
    %get3A_9 = arith.constant 0 : index
    %get3A_10 = arith.constant 0 : index
    %get3A_11 = vector.load %arg0[%get3A_8, %get3A_9, %get3A_10] : memref<2x10240x128xf32, #tpu.memory_space<vmem>>, vector<1x10000x48xf32>
    %get3A_12 = vector.shape_cast %get3A_11 : vector<1x10000x48xf32> to vector<10000x48xf32>
    %get3A_13 = arith.constant 1 : index
    %get3A_14 = arith.constant 0 : index
    %get3A_15 = arith.constant 0 : index
    %get3A_16 = vector.load %arg0[%get3A_13, %get3A_14, %get3A_15] : memref<2x10240x128xf32, #tpu.memory_space<vmem>>, vector<1x10000x48xf32>
    %get3A_17 = vector.shape_cast %get3A_16 : vector<1x10000x48xf32> to vector<10000x48xf32>
    %add3A_18 = arith.addf %get3A_12, %get3A_17 : vector<10000x48xf32>
    %get3A_19 = arith.constant 0 : index
    %get3A_20 = arith.constant 0 : index
    %get3A_21 = vector.load %arg1[%get3A_19, %get3A_20] : memref<10240x128xf32, #tpu.memory_space<vmem>>, vector<10000x48xf32>
    %add3A_22 = arith.addf %add3A_18, %get3A_21 : vector<10000x48xf32>
    %mul3A = vector.broadcast %rsqrt3A : vector<10000x1xf32> to vector<10000x48xf32>
    %mul3A_23 = arith.mulf %mul3A, %add3A_22 : vector<10000x48xf32>
    %get3A_24 = arith.constant 0 : index
    %get3A_25 = vector.load %arg3[%get3A_24] : memref<48xf32, #tpu.memory_space<vmem>>, vector<48xf32>
    %broadcast_in_dim3A = vector.shape_cast %get3A_25 : vector<48xf32> to vector<1x48xf32>
    %add3A_26 = vector.broadcast %broadcast_in_dim3A : vector<1x48xf32> to vector<10000x48xf32>
    %add3A_27 = arith.addf %mul3A_23, %add3A_26 : vector<10000x48xf32>
    %iota3A = tpu.iota {dimensions = array<i32: 1>} : vector<10000x48xi32>
    %lt3A = arith.constant 47 : i32
    %lt3A_28 = vector.broadcast %lt3A : i32 to vector<10000x48xi32>
    %lt3A_29 = arith.cmpi slt, %iota3A, %lt3A_28 : vector<10000x48xi32>
    %jit3A = arith.constant -1.000000e+30 : f32
    %broadcast_in_dim3A_30 = vector.broadcast %jit3A : f32 to vector<10000x48xf32>
    %select_n3A = arith.select %lt3A_29, %add3A_27, %broadcast_in_dim3A_30 : vector<10000x48xi1>, vector<10000x48xf32>
    %reduce_max3A = arith.constant dense<0xFF800000> : vector<10000xf32>
    %reduce_max3A_31 = vector.multi_reduction <maximumf>, %select_n3A, %reduce_max3A [1] : vector<10000x48xf32> to vector<10000xf32>
    %broadcast_in_dim3A_32 = vector.shape_cast %reduce_max3A_31 : vector<10000xf32> to vector<10000x1xf32>
    %sub3A = vector.broadcast %broadcast_in_dim3A_32 : vector<10000x1xf32> to vector<10000x48xf32>
    %sub3A_33 = arith.subf %select_n3A, %sub3A : vector<10000x48xf32>
    %exp3A = math.exp %sub3A_33 : vector<10000x48xf32>
    %reduce_sum3A = arith.constant dense<0.000000e+00> : vector<10000xf32>
    %reduce_sum3A_34 = vector.multi_reduction <add>, %exp3A, %reduce_sum3A [1] : vector<10000x48xf32> to vector<10000xf32>
    %broadcast_in_dim3A_35 = vector.shape_cast %reduce_sum3A_34 : vector<10000xf32> to vector<10000x1xf32>
    %log3A = math.log %broadcast_in_dim3A_35 : vector<10000x1xf32>
    %sub3A_36 = vector.broadcast %broadcast_in_dim3A_32 : vector<10000x1xf32> to vector<10000x48xf32>
    %sub3A_37 = arith.subf %select_n3A, %sub3A_36 : vector<10000x48xf32>
    %sub3A_38 = vector.broadcast %log3A : vector<10000x1xf32> to vector<10000x48xf32>
    %sub3A_39 = arith.subf %sub3A_37, %sub3A_38 : vector<10000x48xf32>
    %slice3A = vector.extract_strided_slice %sub3A_39 {offsets = [0, 0], sizes = [10000, 47], strides = [1, 1]} : vector<10000x48xf32> to vector<10000x47xf32>
    %swap3A = arith.constant 0 : index
    %swap3A_40 = arith.constant 0 : index
    %swap3A_41 = vector.load %arg4[%swap3A, %swap3A_40] : memref<10000x47xf32, #tpu.memory_space<vmem>>, vector<10000x47xf32>
    tpu.vector_store %arg4[%swap3A, %swap3A_40], %slice3A {strides = array<i32>} : memref<10000x47xf32, #tpu.memory_space<vmem>>, vector<10000x47xf32>,
    return
  }
}

</mosaic_0001>

<sc_bundles>
// kernel: kernel.11.cloned.1.call-start
scs
__scs_entry_jumppad:
0x0: {  	(pc) =	sbr.rel $0x88, $3  }
0x1: {  	(tag) =	ssettag $0x0;
	lr =	simm.s32 $0x1  }
0x2: {  	[smem:$0x3F9B] =	sst lr;
	_ =	strace $0xD0000000  }
0x3: {  	_ = 	snop  }
0x4: {  	_ = 	snop  }
0x5: {  	_ = 	snop  }
0x6: {  	_ = 	snop  }
0x7: {  	_ = 	snop  }
__scs_overlays_trampoline_lowered:
0x8: {  	[smem:$0x3FAA] =	sst s0  }
0x9: {  	[smem:$0x3FAB] =	sst s1  }
0xa: {  	[smem:$0x3FAC] =	sst s2  }
0xb: {  	[smem:$0x3FAD] =	sst s3  }
0xc: {  	[smem:$0x3FAE] =	sst s4  }
0xd: {  	[smem:$0x3FAF] =	sst s5  }
0xe: {  	[smem:$0x3FB0] =	sst s6  }
0xf: {  	[smem:$0x3FB1] =	sst s7  }
0x10: {  	[smem:$0x3FB2] =	sst s8  }
0x11: {  	[smem:$0x3FB3] =	sst s9;
	s0 =	simm.s32 @!p0 $0x0  }
0x12: {  	s1 =	sld [smem:$0x3F99];
	s0 =	simm.s32 @p0 $0x1  }
0x13: {  	[smem:$0x3FB4] =	sst s0;
	s0 =	simm.s32 @!p1 $0x0  }
0x14: {  	s2 =	sld [smem:$0x3F98];
	s0 =	simm.s32 @p1 $0x1  }
0x15: {  	[smem:$0x3FB5] =	sst s0;
	s0 =	simm.s32 @!p2 $0x0  }
0x16: {  	s3 =	sld [smem:$0x3FDB];
	s0 =	simm.s32 @p2 $0x1  }
0x17: {  	s4 =	simm.s32 $0x1BF5;
	[smem:$0x3FB7] =	sst s0  }
0x18: {  	s0 =	sld [smem:$0x3F9A];
	_ =	swait.ge [sflag:s4], $0x0  }
0x19: {  	s7 =	sld [smem:$0x3F9B]  }
0x1a: {  	s8 =	sadd.s32 $0xFFFFE003, lr  }
0x1b: {  	s9 =	sadd.s32 $0xFFFFFEF7, lr;
	s5 =	simm.s32 $0xFFFFFFFF;
	p2 =	slt.u32 s8, $0xFFFFF086  }
0x1c: {  	p1 =	slt.u32 s9, $0xF7A;
	s5 =	simm.s32 @!p2 $0x0  }
0x1d: {  	s5 =	simm.s32 @p1 $0x1;
	p0 =	seq.s32 s7, s2  }
0x1e: {  	s7 =	smul.u32 @!p0 $0xF7A, s2;
	p2 =	seq.s32 @!p0 s5, $0x0  }
0x1f: {  	s9 =	smul.u32 $0xF7A, s1;
	s8 =	simm.s32 @!p0 $0x1BF5;
	p2 =	por !p2, p0  }
0x20: {  	[sflag:s8] =	ssyncset.s32 @!p0 $0xFFFFF086;
	s6 =	sadd.s32 @!p0 s3, s7;
	s7 =	simm.s32 @!p0 $0x108  }
0x21: {  	s3 =	sadd.s32 s3, s9;
	s6 =	sadd.s32 @!p0 $0x88, s6;
	s7 =	simm.s32 @p2 $0x1082  }
0x22: {  	[simem:s7], [sflag:s8] =	dma.local @!p0 [hbm:s6], $0xF7A  }
0x23: {  	s9 =	sor.u32 $0xD0000000, s2;
	s6 =	simm.s32 $0x108;
	_ =	swait.ge @!p0 [sflag:s8], $0x0  }
0x24: {  	s3 =	sadd.s32 $0x88, s3;
	s6 =	simm.s32 @!p1 $0x1082;
	[sflag:s4] =	ssyncset.s32 $0xFFFFF086  }
0x25: {  	[simem:s6], [sflag:s4] =	dma.local [hbm:s3], $0xF7A  }
0x26: {  	[smem:$0x3F9B] =	sst s1;
	(tag) =	ssettag s2;
	_ =	strace s9  }
0x27: {  	s1 =	sld [smem:$0x3FAB]  }
0x28: {  	s2 =	sld [smem:$0x3FAC]  }
0x29: {  	s4 =	sld [smem:$0x3FAE]  }
0x2a: {  	p0 =	seq.s32 s5, $0x0;
	s5 =	sld [smem:$0x3FAF]  }
0x2b: {  	s6 =	sld [smem:$0x3FB0]  }
0x2c: {  	s7 =	sld [smem:$0x3FB1]  }
0x2d: {  	s3 =	simm.s32 $0x108;
	s8 =	sld [smem:$0x3FB2]  }
0x2e: {  	s3 =	simm.s32 @!p0 $0x1082;
	s9 =	sld [smem:$0x3FB3]  }
0x2f: {  	lr =	sadd.s32 s0, s3;
	s0 =	sld [smem:$0x3FAA]  }
0x30: {  	s3 =	sld [smem:$0x3FAD]  }
0x31: {  	[smem:$0x3FB6] =	sst s10  }
0x32: {  	s10 =	sld [smem:$0x3FB4];
	_ =	sdelay $0x3  }
0x33: {  	p0 =	seq.s32 s10, $0x1;
	s10 =	sld [smem:$0x3FB6];
	_ =	sdelay $0x3  }
0x34: {  	[smem:$0x3FB6] =	sst s10  }
0x35: {  	s10 =	sld [smem:$0x3FB5];
	_ =	sdelay $0x3  }
0x36: {  	p1 =	seq.s32 s10, $0x1;
	s10 =	sld [smem:$0x3FB6];
	_ =	sdelay $0x3  }
0x37: {  	[smem:$0x3FB6] =	sst s10  }
0x38: {  	s10 =	sld [smem:$0x3FB7]  }
0x39: {  	_ = 	snop;
	(pc) =	sbr.ind lr, $3  }
0x3a: {  	_ = 	snop  }
0x3b: {  	_ = 	snop  }
0x3c: {  	p2 =	seq.s32 s10, $0x1;
	s10 =	sld [smem:$0x3FB6]  }
0x3d: {  	_ =	shalt  }
0x3e: {  	_ =	shalt  }
0x3f: {  	_ =	shalt  }
0x40: {  	_ =	shalt  }
0x41: {  	_ =	shalt  }
0x42: {  	_ =	shalt  }
0x43: {  	_ =	shalt  }
0x44: {  	_ =	shalt  }
0x45: {  	_ =	shalt  }
0x46: {  	_ =	shalt  }
0x47: {  	_ =	shalt  }
0x48: {  	_ =	shalt  }
0x49: {  	_ =	shalt  }
0x4a: {  	_ =	shalt  }
0x4b: {  	_ =	shalt  }
0x4c: {  	_ =	shalt  }
0x4d: {  	_ =	shalt  }
0x4e: {  	_ =	shalt  }
0x4f: {  	_ =	shalt  }
0x50: {  	_ =	shalt  }
0x51: {  	_ =	shalt  }
0x52: {  	_ =	shalt  }
0x53: {  	_ =	shalt  }
0x54: {  	_ =	shalt  }
0x55: {  	_ =	shalt  }
0x56: {  	_ =	shalt  }
0x57: {  	_ =	shalt  }
0x58: {  	_ =	shalt  }
0x59: {  	_ =	shalt  }
0x5a: {  	_ =	shalt  }
0x5b: {  	_ =	shalt  }
0x5c: {  	_ =	shalt  }
0x5d: {  	_ =	shalt  }
0x5e: {  	_ =	shalt  }
0x5f: {  	_ =	shalt  }
0x60: {  	_ =	shalt  }
0x61: {  	_ =	shalt  }
0x62: {  	_ =	shalt  }
0x63: {  	_ =	shalt  }
0x64: {  	_ =	shalt  }
0x65: {  	_ =	shalt  }
0x66: {  	_ =	shalt  }
0x67: {  	_ =	shalt  }
0x68: {  	_ =	shalt  }
0x69: {  	_ =	shalt  }
0x6a: {  	_ =	shalt  }
0x6b: {  	_ =	shalt  }
0x6c: {  	_ =	shalt  }
0x6d: {  	_ =	shalt  }
0x6e: {  	_ =	shalt  }
0x6f: {  	_ =	shalt  }
0x70: {  	_ =	shalt  }
0x71: {  	_ =	shalt  }
0x72: {  	_ =	shalt  }
0x73: {  	_ =	shalt  }
0x74: {  	_ =	shalt  }
0x75: {  	_ =	shalt  }
0x76: {  	_ =	shalt  }
0x77: {  	_ =	shalt  }
0x78: {  	_ =	shalt  }
0x79: {  	_ =	shalt  }
0x7a: {  	_ =	shalt  }
0x7b: {  	_ =	shalt  }
0x7c: {  	_ =	shalt  }
0x7d: {  	_ =	shalt  }
0x7e: {  	_ =	shalt  }
0x7f: {  	_ =	shalt  }
0x80: {  	_ =	shalt  }
0x81: {  	_ =	shalt  }
0x82: {  	_ =	shalt  }
0x83: {  	_ =	shalt  }
0x84: {  	_ =	shalt  }
0x85: {  	_ =	shalt  }
0x86: {  	_ =	shalt  }
0x87: {  	_ =	shalt  }
.Lfunc_end0:
.L_simem_size_0:
called_computation.1_lowered:
.L_overlay_start_0:
0x88: {  	s2 =	sld [smem:$0x3FD9]  }
0x89: {  	s3 =	sld [smem:$0x3FFE];
	_ =	sdelay $0x1  }
0x8a: {  	s1 =	srdreg.scid  }
0x8b: {  	s0 =	sand.u32 $0x1, s1  }
0x8c: {  	s17 =	sshll.u32 s0, $0xA;
	s2 =	sadd.s32 s3, s2  }
0x8d: {  	s2 =	sadd.s32 s2, s17  }
0x8e: {  	[smem:$0x3FC2] =	sst s2  }
0x8f: {  	_ = 	snop  }
0x90: {  	s2 =	sld [smem:$0x3FD0];
	(tm) =	ssettm $0x1  }
0x91: {  	s18 =	sld [smem:$0x3FFB];
	_ =	sdelay $0x3  }
0x92: {  	_ =	strace s18  }
0x93: {  	s3 =	sld [smem:$0x3FFC];
	_ =	sdelay $0x3  }
0x94: {  	_ =	strace s3  }
0x95: {  	s3 =	sld [smem:$0x3FFD];
	_ =	sdelay $0x3  }
0x96: {  	_ =	strace s3  }
0x97: {  	_ =	strace $0x8FFFFFFF  }
0x98: {  	s19 =	sld [smem:$0x3FDB];
	_ =	sdelay $0x1  }
0x99: {  	s4 =	simm.s32 $_scs_section_size  }
0x9a: {  	s5 =	simm.s32 $_size__tile_overlayer_lowered;
	s6 =	simm.s32 $_tile_overlayer_lowered  }
0x9b: {  	s22 =	simm.s32 $0x1BFF;
	s21 =	sshll.u32 s6, $0x1;
	s3 =	sadd.s32 s4, s19  }
0x9c: {  	s7 =	simm.s32 $0x0;
	s20 =	sshll.u32 s5, $0x1;
	s5 =	sadd.s32 s21, s3  }
0x9d: {  	[timem:s7], [sflag:s22] =	dma.local [hbm:s5], s20  }
0x9e: {  	_ =	swait.ge [sflag:s22], s20  }
0x9f: {  	s4 =	ssub.s32 $0x0, s20;
	[sflag:s22] =	ssyncset.done $0x0  }
0xa0: {  	[sflag:s22] =	ssyncadd.s32 s4;
	_ =	sdelay $0x1  }
0xa1: {  	s23 =	simm.s32 $0x1B8B  }
0xa2: {  	_ =	swait.ge [sflag:s23], $0x1  }
0xa3: {  	[sflag:s23] =	ssyncset.done $0x0  }
0xa4: {  	s25 =	simm.s32 $0x1B8E;
	s24 =	sld [smem:$0x3FFE];
	[sflag:s23] =	ssyncadd.s32 $0xFFFFFFFF  }
0xa5: {  	s26 =	simm.s32 $execute0_lowered;
	[smem:$0x3FD2] =	sst s25  }
0xa6: {  	s5 =	sshll.u32 s26, $0x1;
	_ =	strace $0x80000049;
	[dreg:$0x1] =	wrdreg $0xFFFFFFFF  }
0xa7: {  	s28 =	simm.s32 $_size_execute0_lowered;
	s3 =	sadd.s32 s3, s5;
	[dreg:$0x0] =	wrdreg $0x0  }
0xa8: {  	s5 =	sshll.u32 s28, $0x1;
	[dreg:$0x2] =	wrdreg s3  }
0xa9: {  	[dreg:$0x3] =	wrdreg s5  }
0xaa: {  	[dreg:$0x4] =	wrdreg $0xC0  }
0xab: {  	_ =	task [dreg:s7], $0x5FFFF  }
0xac: {  	[dreg:$0x1] =	wrdreg $0xFFFFFFFF  }
0xad: {  	[dreg:$0x0] =	wrdreg $0x60  }
0xae: {  	[dreg:$0x2] =	wrdreg s24  }
0xaf: {  	[dreg:$0x3] =	wrdreg s2  }
0xb0: {  	[dreg:$0x4] =	wrdreg $0xA5000  }
0xb1: {  	[dreg:$0x5] =	wrdreg $0x145000  }
0xb2: {  	[dreg:$0x6] =	wrdreg $0x9  }
0xb3: {  	_ =	task.clear_ibuf [dreg:s7], $0x7FFFF;
	_ =	strace $0x90000049  }
0xb4: {  	s29 =	simm.s32 $0x9;
	_ =	strace $0x8000004B  }
0xb5: {  	_ =	swait.ge [sflag:s29], $0x1  }
0xb6: {  	[sflag:s29] =	ssyncadd.s32 $0xFFFFFFFF  }
0xb7: {  	_ =	strace $0x9000004B  }
0xb8: {  	_ =	sfence  }
0xb9: {  	s30 =	sld [smem:$0x0];
	_ =	sdelay $0x2  }
0xba: {  	s31 =	sshll.u32 s1, $0xD;
	s1 =	sshrl.u32 s1, $0x2  }
0xbb: {  	s3 =	sand.u32 $0x4000, s31;
	s1 =	sadd.s32 s1, s30  }
0xbc: {  	s0 =	sor.u32 s3, s0;
	s1 =	sshll.u32 s1, $0x11  }
0xbd: {  	s0 =	sor.u32 s1, s0  }
0xbe: {  	s0 =	sadd.s32 $0x8F2B, s0  }
0xbf: {  	[sflag:s0] =	ssyncadd.remote.s32 $0x1  }
0xc0: {  	_ =	sfence.sel $0xFFFF  }
0xc1: {  	[dreg:$0x0] =	wrdreg $0xFFFFFFFF;
	(pc) =	sbr.abs _section_cstart, $3  }
0xc2: {  	[dreg:$0x1] =	wrdreg $0xFFFFFFFF  }
0xc3: {  	_ =	task.clear_ibuf [dreg:s7], $0x2FFFF;
	_ =	strace $0x9FFFFFFF  }
0xc4: {  	(tm) =	ssettm $0x7FFFFFFF  }
0xc5: {  	_ =	shalt  }
tec
execute0_lowered:
.L_overlay_start_1:
0x0: {  	(tag) =	ssettag $0x1  }
0x1: {  	s0 =	rddreg [dreg:$0x0];
	s11 =	stileid.u32  }
0x2: {  	s1 =	srdreg.scid;
	s3 =	rddreg [dreg:$0x2]  }
0x3: {  	s4 =	rddreg [dreg:$0x3];
	s20 =	simm.s32 $0x0;
	s28 =	simm.s32 $0x6680  }
0x4: {  	s29 =	simm.s32 $0x2;
	s31 =	simm.s32 $0x180;
	s13 =	simm.s32 $0x1580  }
0x5: {  	s14 =	simm.s32 $0x6;
	s15 =	simm.s32 $0x280;
	s2 =	smul.u32 $0x14000, s11  }
0x6: {  	s1 =	sand.u32 $0x1, s1;
	[smem:$0x7FF] =	sst s20;
	s9 =	sshll.u32 s11, $0x1  }
0x7: {  	s10 =	smul.u32 $0xA000, s11;
	s17 =	sshll.u32 s11, $0x6;
	s11 =	simm.s32 $0x200  }
0x8: {  	s5 =	smul.u32 $0x140000, s1;
	_ =	strace $0x8000004A;
	s7 =	ssub.s32 $0x2, s1  }
0x9: {  	s1 =	sor.u32 s1, s9;
	s12 =	sor.u32 $0x1C09, s17;
	s17 =	simm.s32 $0x8  }
0xa: {  	s6 =	sshrl.u32 s2, $0x3;
	s8 =	sshrl.u32 s7, $0x1;
	s18 =	sadd.s32 s10, s3  }
0xb: {  	s21 =	sadd.s32 s10, s4;
	s9 =	smul.u32 $0x50, s1;
	s10 =	sadd.s32 $0x20A00, s0  }
0xc: {  	s1 =	simm.s32 $0x1500;
	s2 =	sadd.s32 s2, s5;
	s16 =	sadd.s32 s6, s0  }
0xd: {  	s6 =	sadd.s32 $0x16A00, s0;
	s7 =	ssub.s32 s7, s8;
	s26 =	sshrl.u32 s18, $0x3  }
0xe: {  	s8 =	smov.u32 s12;
	s12 =	simm.s32 $0x4;
	s18 =	simm.s32 $0x7  }
0xf: {  	s2 =	sshrl.u32 s2, $0x3;
	s19 =	sadd.s32 $0x2AA00, s16;
	[dreg:$0xc] =	wrdreg s26  }
0x10: {  	s23 =	sadd.s32 $0x2AA08, s16;
	s25 =	smax.u32 s7, $0x1;
	[dreg:$0x7] =	wrdreg s8  }
0x11: {  	s16 =	simm.s32 $0x1;
	s26 =	simm.s32 $0x10;
	[dreg:$0x6] =	wrdreg s19  }
0x12: {  	s7 =	simm.s32 $0x5;
	s2 =	sadd.s32 s2, s0;
	[dreg:$0x9] =	wrdreg s23  }
.Ltmp0:
0x13: {  	[dreg:$0xb] =	wrdreg s25;
	s19 =	simm.s32 $0x9;
	(pc) =	sbr.rel .LBB2_1-.Ltmp0, $4  }
0x14: {  	s23 =	simm.s32 $0x2800;
	s25 =	simm.s32 $0x4740;
	s22 =	sadd.s32 $0x52A00, s2  }
0x15: {  	s0 =	simm.s32 $0x3;
	s24 =	sadd.s32 $0x52A08, s2;
	[dreg:$0x8] =	wrdreg s22  }
0x16: {  	s2 =	simm.s32 $0x85C0;
	[dreg:$0xa] =	wrdreg s24;
	s24 =	sshrl.u32 s21, $0x3  }
0x17: {  	s21 =	simm.s32 $0x1400;
	s22 =	simm.s32 $0x7D;
	s30 =	smov.u32 s24  }
.LBB2_11:
0x18: {  	[bflag:$0x0] =	sbarrier.arrive $0xFFFF  }
0x19: {  	s8 =	rddreg [dreg:$0x7]  }
0x1a: {  	s5 =	rddreg [dreg:$0xa]  }
0x1b: {  	[hbm:s5@s26], [sflag:s8] =	dma.strided [spmem:s30@s17], $0x1400, s16, $0x8   }
0x1c: {  	_ =	swait.ge [sflag:s19], $0x1400  }
0x1d: {  	s20 =	rddreg [dreg:$0x5]  }
0x1e: {  	s5 =	rddreg [dreg:$0xb];
	s20 =	sadd.s32 $0x1, s20  }
0x1f: {  	p0 =	sne.s32 s20, s5  }
.Ltmp1:
0x20: {  	_ = 	snop;
	(pc) =	sbr.rel @!p0 .LBB2_12-.Ltmp1, $3  }
0x21: {  	_ =	sdelay $0x1  }
0x22: {  	[sflag:s19] =	ssyncset.done $0x0  }
0x23: {  	s24 =	smov.u32 s30;
	[sflag:s19] =	ssyncadd.s32 $0xFFFFEC00  }
.LBB2_1:
0x24: {  	[dreg:$0x5] =	wrdreg s20  }
0x25: {  	s5 =	rddreg [dreg:$0x6]  }
0x26: {  	s20 =	rddreg [dreg:$0xc]  }
0x27: {  	[spmem:s20@s17], [sflag:s8] =	dma.strided [hbm:s5@s26], $0x1400, s16, $0x8   }
0x28: {  	_ =	swait.ge [sflag:s19], $0x1400  }
0x29: {  	[sflag:s19] =	ssyncset.done $0x0  }
0x2a: {  	[sflag:s19] =	ssyncadd.s32 $0xFFFFEC00  }
0x2b: {  	s20 =	rddreg [dreg:$0x1]  }
0x2c: {  	[spmem:s24], [sflag:s8] =	dma.local [hbm:s20], $0x1400  }
.Ltmp2:
0x2d: {  	_ =	swait.ge [sflag:s19], $0x1400;
	(pc) =	sbr.rel .LBB2_2-.Ltmp2, $4  }
0x2e: {  	[sflag:s19] =	ssyncset.done $0x0  }
0x2f: {  	[sflag:s19] =	ssyncadd.s32 $0xFFFFEC00  }
0x30: {  	[bflag:$0x0] =	sbarrier.arrive $0xFFFF  }
0x31: {  	p1 =	por $0x1, $0x1;
	s5 =	simm.s32 $0x0  }
.LBB2_5:
0x32: {  	_ =	swait.ge [sflag:s12], $0x1F40  }
0x33: {  	[sflag:s12] =	ssyncset.done $0x0  }
0x34: {  	[sflag:s12] =	ssyncadd.s32 $0xFFFFE0C0  }
0x35: {  	[spmem:s4] =	stream.indirect.scatter.add.f32 [tilespmem:s2], [sflag:$0x8], $0x40, s5, s22, $0xb8;
	[tilespmem:$0x1E500] =	vst v63  }
0x36: {  	_ =	swait.ge [sflag:s7], $0x1F40  }
0x37: {  	[sflag:s7] =	ssyncset.done $0x0  }
0x38: {  	[sflag:s7] =	ssyncadd.s32 $0xFFFFE0C0  }
0x39: {  	_ =	swait.ge [sflag:s14], $0x1F40  }
0x3a: {  	[sflag:s14] =	ssyncset.done $0x0  }
0x3b: {  	[sflag:s14] =	ssyncadd.s32 $0xFFFFE0C0  }
0x3c: {  	_ =	swait.ge [sflag:s18], $0x1F40  }
.Ltmp3:
0x3d: {  	[sflag:s18] =	ssyncset.done $0x0;
	(pc) =	sbr.rel @!p0 .LBB2_6-.Ltmp3, $4  }
0x3e: {  	[sflag:s18] =	ssyncadd.s32 $0xFFFFE0C0  }
0x3f: {  	_ =	swait.ge [sflag:s17], $0x1F40  }
0x40: {  	[sflag:s17] =	ssyncset.done $0x0  }
0x41: {  	p1 =	por $0x0, $0x0;
	s5 =	simm.s32 $0x28;
	[sflag:s17] =	ssyncadd.s32 $0xFFFFE0C0  }
.LBB2_2:
0x42: {  	s5 =	sadd.s32 s9, s5  }
0x43: {  	s5 =	sshll.u32 s5, $0x4  }
0x44: {  	s20 =	simm.s32 $0x0;
	s8 =	sadd.s32 s6, s5  }
0x45: {  	[tilespmem:s20], [sflag:$0x9] =	stream.linear.gather [hbm4b:s8+s20], $0x1400, $0x38;
	[tilespmem:$0x1E500] =	vst v63  }
0x46: {  	_ =	swait.ge [sflag:s19], $0x1400  }
0x47: {  	[sflag:s19] =	ssyncset.done $0x0  }
0x48: {  	s5 =	sadd.s32 s5, s10;
	[sflag:s19] =	ssyncadd.s32 $0xFFFFEC00  }
0x49: {  	[tilespmem:s21], [sflag:$0x9] =	stream.linear.gather [hbm4b:s5+s20], $0x1400, $0x38;
	[tilespmem:$0x1E500] =	vst v63  }
0x4a: {  	_ =	swait.ge [sflag:s19], $0x1400  }
0x4b: {  	[sflag:s19] =	ssyncset.done $0x0  }
0x4c: {  	[sflag:s19] =	ssyncadd.s32 $0xFFFFEC00  }
0x4d: {  	[tilespmem:s23], [sflag:$0x1] =	stream.indirect.gather [spmem:s3], $0x40, s20, s22, $0xb8;
	[tilespmem:$0x1E500] =	vst v63  }
0x4e: {  	s8 =	simm.s32 $0x80  }
0x4f: {  	[tilespmem:s25], [sflag:$0x2] =	stream.indirect.gather [spmem:s3], $0x40, s8, s22, $0xb8;
	[tilespmem:$0x1E500] =	vst v63  }
0x50: {  	_ =	swait.ge [sflag:s16], $0x1F40  }
0x51: {  	[sflag:s16] =	ssyncset.done $0x0  }
0x52: {  	[sflag:s16] =	ssyncadd.s32 $0xFFFFE0C0  }
0x53: {  	[spmem:s4] =	stream.indirect.scatter.add.f32 [tilespmem:s23], [sflag:$0x5], $0x40, s21, s22, $0xb8;
	[tilespmem:$0x1E500] =	vst v63  }
0x54: {  	s8 =	simm.s32 $0x100  }
0x55: {  	[tilespmem:s28], [sflag:$0x3] =	stream.indirect.gather [spmem:s3], $0x40, s8, s22, $0xb8;
	[tilespmem:$0x1E500] =	vst v63  }
0x56: {  	_ =	swait.ge [sflag:s29], $0x1F40  }
0x57: {  	[sflag:s29] =	ssyncset.done $0x0  }
0x58: {  	s8 =	simm.s32 $0x1480;
	[sflag:s29] =	ssyncadd.s32 $0xFFFFE0C0  }
0x59: {  	[spmem:s4] =	stream.indirect.scatter.add.f32 [tilespmem:s25], [sflag:$0x6], $0x40, s8, s22, $0xb8;
	[tilespmem:$0x1E500] =	vst v63  }
0x5a: {  	_ = 	snop  }
0x5b: {  	[tilespmem:s2], [sflag:$0x4] =	stream.indirect.gather [spmem:s3], $0x40, s31, s22, $0xb8;
	[tilespmem:$0x1E500] =	vst v63  }
0x5c: {  	_ =	swait.ge [sflag:s0], $0x1F40  }
0x5d: {  	[sflag:s0] =	ssyncset.done $0x0  }
0x5e: {  	[sflag:s0] =	ssyncadd.s32 $0xFFFFE0C0  }
0x5f: {  	[spmem:s4] =	stream.indirect.scatter.add.f32 [tilespmem:s28], [sflag:$0x7], $0x40, s1, s22, $0xb8;
	[tilespmem:$0x1E500] =	vst v63  }
0x60: {  	_ =	swait.ge [sflag:s7], $0x1F40  }
0x61: {  	[sflag:s7] =	ssyncset.done $0x0  }
0x62: {  	[sflag:s7] =	ssyncadd.s32 $0xFFFFE0C0  }
0x63: {  	[tilespmem:s23], [sflag:$0x1] =	stream.indirect.gather [spmem:s3], $0x40, s11, s22, $0xb8;
	[tilespmem:$0x1E500] =	vst v63  }
0x64: {  	_ =	swait.ge [sflag:s12], $0x1F40  }
0x65: {  	[sflag:s12] =	ssyncset.done $0x0  }
0x66: {  	[sflag:s12] =	ssyncadd.s32 $0xFFFFE0C0  }
0x67: {  	[spmem:s4] =	stream.indirect.scatter.add.f32 [tilespmem:s2], [sflag:$0x8], $0x40, s13, s22, $0xb8;
	[tilespmem:$0x1E500] =	vst v63  }
0x68: {  	_ =	swait.ge [sflag:s14], $0x1F40  }
0x69: {  	[sflag:s14] =	ssyncset.done $0x0  }
0x6a: {  	p0 =	por p1, p1;
	[sflag:s14] =	ssyncadd.s32 $0xFFFFE0C0  }
0x6b: {  	[tilespmem:s25], [sflag:$0x2] =	stream.indirect.gather [spmem:s3], $0x40, s15, s22, $0xb8;
	[tilespmem:$0x1E500] =	vst v63  }
.LBB2_3:
0x6c: {  	_ =	swait.ge [sflag:s16], $0x1F40  }
0x6d: {  	s8 =	sshra.s32 s20, $0x2;
	[sflag:s16] =	ssyncset.done $0x0  }
0x6e: {  	s5 =	sadd.s32 $0x1600, s8;
	[sflag:s16] =	ssyncadd.s32 $0xFFFFE0C0  }
0x6f: {  	[spmem:s4] =	stream.indirect.scatter.add.f32 [tilespmem:s23], [sflag:$0x5], $0x40, s5, s22, $0xb8;
	[tilespmem:$0x1E500] =	vst v63  }
0x70: {  	_ =	swait.ge [sflag:s18], $0x1F40  }
0x71: {  	[sflag:s18] =	ssyncset.done $0x0  }
0x72: {  	s5 =	sadd.s32 $0x300, s8;
	[sflag:s18] =	ssyncadd.s32 $0xFFFFE0C0  }
0x73: {  	[tilespmem:s28], [sflag:$0x3] =	stream.indirect.gather [spmem:s3], $0x40, s5, s22, $0xb8;
	[tilespmem:$0x1E500] =	vst v63  }
0x74: {  	_ =	swait.ge [sflag:s29], $0x1F40  }
0x75: {  	[sflag:s29] =	ssyncset.done $0x0  }
0x76: {  	s5 =	sadd.s32 $0x1680, s8;
	[sflag:s29] =	ssyncadd.s32 $0xFFFFE0C0  }
0x77: {  	[spmem:s4] =	stream.indirect.scatter.add.f32 [tilespmem:s25], [sflag:$0x6], $0x40, s5, s22, $0xb8;
	[tilespmem:$0x1E500] =	vst v63  }
0x78: {  	_ =	swait.ge [sflag:s17], $0x1F40  }
0x79: {  	[sflag:s17] =	ssyncset.done $0x0  }
0x7a: {  	p1 =	seq.s32 s20, $0x4000;
	s5 =	sadd.s32 $0x380, s8;
	[sflag:s17] =	ssyncadd.s32 $0xFFFFE0C0  }
0x7b: {  	[tilespmem:s2], [sflag:$0x4] =	stream.indirect.gather [spmem:s3], $0x40, s5, s22, $0xb8;
	[tilespmem:$0x1E500] =	vst v63  }
.Ltmp4:
0x7c: {  	_ =	swait.ge [sflag:s0], $0x1F40;
	(pc) =	sbr.rel @p1 .LBB2_5-.Ltmp4, $4  }
0x7d: {  	[sflag:s0] =	ssyncset.done $0x0  }
0x7e: {  	s5 =	sadd.s32 $0x1700, s8;
	[sflag:s0] =	ssyncadd.s32 $0xFFFFE0C0  }
0x7f: {  	[spmem:s4] =	stream.indirect.scatter.add.f32 [tilespmem:s28], [sflag:$0x7], $0x40, s5, s22, $0xb8;
	[tilespmem:$0x1E500] =	vst v63  }
0x80: {  	s5 =	sadd.s32 $0x1780, s8  }
0x81: {  	_ =	swait.ge [sflag:s7], $0x1F40  }
0x82: {  	[sflag:s7] =	ssyncset.done $0x0  }
0x83: {  	s24 =	sadd.s32 $0x400, s8;
	[sflag:s7] =	ssyncadd.s32 $0xFFFFE0C0  }
0x84: {  	[tilespmem:s23], [sflag:$0x1] =	stream.indirect.gather [spmem:s3], $0x40, s24, s22, $0xb8;
	[tilespmem:$0x1E500] =	vst v63  }
0x85: {  	_ =	swait.ge [sflag:s12], $0x1F40  }
0x86: {  	[sflag:s12] =	ssyncset.done $0x0  }
0x87: {  	[sflag:s12] =	ssyncadd.s32 $0xFFFFE0C0  }
0x88: {  	[spmem:s4] =	stream.indirect.scatter.add.f32 [tilespmem:s2], [sflag:$0x8], $0x40, s5, s22, $0xb8;
	[tilespmem:$0x1E500] =	vst v63  }
.Ltmp5:
0x89: {  	_ = 	snop;
	(pc) =	sbr.rel .LBB2_3-.Ltmp5, $4  }
0x8a: {  	_ =	swait.ge [sflag:s14], $0x1F40  }
0x8b: {  	s8 =	sadd.s32 $0x480, s8;
	[sflag:s14] =	ssyncset.done $0x0  }
0x8c: {  	s20 =	sadd.s32 $0x800, s20;
	s24 =	smov.u32 s30;
	[sflag:s14] =	ssyncadd.s32 $0xFFFFE0C0  }
0x8d: {  	[tilespmem:s25], [sflag:$0x2] =	stream.indirect.gather [spmem:s3], $0x40, s8, s22, $0xb8;
	[tilespmem:$0x1E500] =	vst v63  }
.LBB2_6:
0x8e: {  	[bflag:$0x0] =	sbarrier.arrive $0xFFFF  }
0x8f: {  	s8 =	rddreg [dreg:$0x7]  }
0x90: {  	s5 =	rddreg [dreg:$0x8]  }
0x91: {  	[hbm:s5@s26], [sflag:s8] =	dma.strided [spmem:s24@s17], $0x1400, s16, $0x8   }
0x92: {  	_ =	swait.ge [sflag:s19], $0x1400  }
0x93: {  	[sflag:s19] =	ssyncset.done $0x0;
	s5 =	rddreg [dreg:$0x9]  }
0x94: {  	s20 =	rddreg [dreg:$0xc];
	[sflag:s19] =	ssyncadd.s32 $0xFFFFEC00  }
0x95: {  	[spmem:s20@s17], [sflag:s8] =	dma.strided [hbm:s5@s26], $0x1400, s16, $0x8   }
0x96: {  	_ =	swait.ge [sflag:s19], $0x1400  }
0x97: {  	[sflag:s19] =	ssyncset.done $0x0  }
0x98: {  	[sflag:s19] =	ssyncadd.s32 $0xFFFFEC00  }
0x99: {  	s20 =	rddreg [dreg:$0x1]  }
0x9a: {  	[spmem:s24], [sflag:s8] =	dma.local [hbm:s20], $0x1400  }
.Ltmp6:
0x9b: {  	_ =	swait.ge [sflag:s19], $0x1400;
	(pc) =	sbr.rel .LBB2_7-.Ltmp6, $4  }
0x9c: {  	[sflag:s19] =	ssyncset.done $0x0  }
0x9d: {  	[sflag:s19] =	ssyncadd.s32 $0xFFFFEC00  }
0x9e: {  	[bflag:$0x0] =	sbarrier.arrive $0xFFFF  }
0x9f: {  	p1 =	por $0x1, $0x1;
	s5 =	simm.s32 $0x0;
	s20 =	simm.s32 $0x0  }
.LBB2_10:
0xa0: {  	_ =	swait.ge [sflag:s12], $0x1F40  }
0xa1: {  	[sflag:s12] =	ssyncset.done $0x0  }
0xa2: {  	[sflag:s12] =	ssyncadd.s32 $0xFFFFE0C0  }
0xa3: {  	[spmem:s4] =	stream.indirect.scatter.add.f32 [tilespmem:s2], [sflag:$0x8], $0x40, s24, s22, $0xb8;
	[tilespmem:$0x1E500] =	vst v63  }
0xa4: {  	_ =	swait.ge [sflag:s7], $0x1F40  }
0xa5: {  	[sflag:s7] =	ssyncset.done $0x0  }
0xa6: {  	[sflag:s7] =	ssyncadd.s32 $0xFFFFE0C0  }
0xa7: {  	_ =	swait.ge [sflag:s14], $0x1F40  }
0xa8: {  	[sflag:s14] =	ssyncset.done $0x0  }
0xa9: {  	[sflag:s14] =	ssyncadd.s32 $0xFFFFE0C0  }
0xaa: {  	_ =	swait.ge [sflag:s18], $0x1F40  }
.Ltmp7:
0xab: {  	[sflag:s18] =	ssyncset.done $0x0;
	(pc) =	sbr.rel @!p0 .LBB2_11-.Ltmp7, $4  }
0xac: {  	[sflag:s18] =	ssyncadd.s32 $0xFFFFE0C0  }
0xad: {  	_ =	swait.ge [sflag:s17], $0x1F40  }
0xae: {  	[sflag:s17] =	ssyncset.done $0x0  }
0xaf: {  	s5 =	simm.s32 $0x28;
	p1 =	por $0x0, $0x0;
	[sflag:s17] =	ssyncadd.s32 $0xFFFFE0C0  }
.LBB2_7:
0xb0: {  	s5 =	sadd.s32 s9, s5  }
0xb1: {  	s5 =	sshll.u32 s5, $0x4  }
0xb2: {  	s8 =	sadd.s32 s6, s5  }
0xb3: {  	[tilespmem:s20], [sflag:$0x9] =	stream.linear.gather [hbm4b:s8+s20], $0x1400, $0x38;
	[tilespmem:$0x1E500] =	vst v63  }
0xb4: {  	_ =	swait.ge [sflag:s19], $0x1400  }
0xb5: {  	[sflag:s19] =	ssyncset.done $0x0  }
0xb6: {  	s5 =	sadd.s32 s5, s10;
	[sflag:s19] =	ssyncadd.s32 $0xFFFFEC00  }
0xb7: {  	[tilespmem:s21], [sflag:$0x9] =	stream.linear.gather [hbm4b:s5+s20], $0x1400, $0x38;
	[tilespmem:$0x1E500] =	vst v63  }
0xb8: {  	_ =	swait.ge [sflag:s19], $0x1400  }
0xb9: {  	[sflag:s19] =	ssyncset.done $0x0  }
0xba: {  	[sflag:s19] =	ssyncadd.s32 $0xFFFFEC00  }
0xbb: {  	[tilespmem:s23], [sflag:$0x1] =	stream.indirect.gather [spmem:s3], $0x40, s20, s22, $0xb8;
	[tilespmem:$0x1E500] =	vst v63  }
0xbc: {  	s24 =	simm.s32 $0x80  }
0xbd: {  	[tilespmem:s25], [sflag:$0x2] =	stream.indirect.gather [spmem:s3], $0x40, s24, s22, $0xb8;
	[tilespmem:$0x1E500] =	vst v63  }
0xbe: {  	_ =	swait.ge [sflag:s16], $0x1F40  }
0xbf: {  	[sflag:s16] =	ssyncset.done $0x0  }
0xc0: {  	[sflag:s16] =	ssyncadd.s32 $0xFFFFE0C0  }
0xc1: {  	[spmem:s4] =	stream.indirect.scatter.add.f32 [tilespmem:s23], [sflag:$0x5], $0x40, s21, s22, $0xb8;
	[tilespmem:$0x1E500] =	vst v63  }
0xc2: {  	s8 =	simm.s32 $0x100  }
0xc3: {  	[tilespmem:s28], [sflag:$0x3] =	stream.indirect.gather [spmem:s3], $0x40, s8, s22, $0xb8;
	[tilespmem:$0x1E500] =	vst v63  }
0xc4: {  	_ =	swait.ge [sflag:s29], $0x1F40  }
0xc5: {  	[sflag:s29] =	ssyncset.done $0x0  }
0xc6: {  	s24 =	simm.s32 $0x1480;
	[sflag:s29] =	ssyncadd.s32 $0xFFFFE0C0  }
0xc7: {  	[spmem:s4] =	stream.indirect.scatter.add.f32 [tilespmem:s25], [sflag:$0x6], $0x40, s24, s22, $0xb8;
	[tilespmem:$0x1E500] =	vst v63  }
0xc8: {  	_ = 	snop  }
0xc9: {  	[tilespmem:s2], [sflag:$0x4] =	stream.indirect.gather [spmem:s3], $0x40, s31, s22, $0xb8;
	[tilespmem:$0x1E500] =	vst v63  }
0xca: {  	_ =	swait.ge [sflag:s0], $0x1F40  }
0xcb: {  	[sflag:s0] =	ssyncset.done $0x0  }
0xcc: {  	[sflag:s0] =	ssyncadd.s32 $0xFFFFE0C0  }
0xcd: {  	[spmem:s4] =	stream.indirect.scatter.add.f32 [tilespmem:s28], [sflag:$0x7], $0x40, s1, s22, $0xb8;
	[tilespmem:$0x1E500] =	vst v63  }
0xce: {  	_ =	swait.ge [sflag:s7], $0x1F40  }
0xcf: {  	[sflag:s7] =	ssyncset.done $0x0  }
0xd0: {  	[sflag:s7] =	ssyncadd.s32 $0xFFFFE0C0  }
0xd1: {  	[tilespmem:s23], [sflag:$0x1] =	stream.indirect.gather [spmem:s3], $0x40, s11, s22, $0xb8;
	[tilespmem:$0x1E500] =	vst v63  }
0xd2: {  	_ =	swait.ge [sflag:s12], $0x1F40  }
0xd3: {  	[sflag:s12] =	ssyncset.done $0x0  }
0xd4: {  	[sflag:s12] =	ssyncadd.s32 $0xFFFFE0C0  }
0xd5: {  	[spmem:s4] =	stream.indirect.scatter.add.f32 [tilespmem:s2], [sflag:$0x8], $0x40, s13, s22, $0xb8;
	[tilespmem:$0x1E500] =	vst v63  }
0xd6: {  	_ =	swait.ge [sflag:s14], $0x1F40  }
0xd7: {  	[sflag:s14] =	ssyncset.done $0x0  }
0xd8: {  	p0 =	por p1, p1;
	s8 =	simm.s32 $0x0;
	[sflag:s14] =	ssyncadd.s32 $0xFFFFE0C0  }
0xd9: {  	[tilespmem:s25], [sflag:$0x2] =	stream.indirect.gather [spmem:s3], $0x40, s15, s22, $0xb8;
	[tilespmem:$0x1E500] =	vst v63  }
.LBB2_8:
0xda: {  	_ =	swait.ge [sflag:s16], $0x1F40  }
0xdb: {  	s5 =	sshra.s32 s8, $0x2;
	[sflag:s16] =	ssyncset.done $0x0  }
0xdc: {  	s24 =	sadd.s32 $0x1600, s5;
	[sflag:s16] =	ssyncadd.s32 $0xFFFFE0C0  }
0xdd: {  	[spmem:s4] =	stream.indirect.scatter.add.f32 [tilespmem:s23], [sflag:$0x5], $0x40, s24, s22, $0xb8;
	[tilespmem:$0x1E500] =	vst v63  }
0xde: {  	_ =	swait.ge [sflag:s18], $0x1F40  }
0xdf: {  	[sflag:s18] =	ssyncset.done $0x0  }
0xe0: {  	s24 =	sadd.s32 $0x300, s5;
	[sflag:s18] =	ssyncadd.s32 $0xFFFFE0C0  }
0xe1: {  	[tilespmem:s28], [sflag:$0x3] =	stream.indirect.gather [spmem:s3], $0x40, s24, s22, $0xb8;
	[tilespmem:$0x1E500] =	vst v63  }
0xe2: {  	_ =	swait.ge [sflag:s29], $0x1F40  }
0xe3: {  	[sflag:s29] =	ssyncset.done $0x0  }
0xe4: {  	s24 =	sadd.s32 $0x1680, s5;
	[sflag:s29] =	ssyncadd.s32 $0xFFFFE0C0  }
0xe5: {  	[spmem:s4] =	stream.indirect.scatter.add.f32 [tilespmem:s25], [sflag:$0x6], $0x40, s24, s22, $0xb8;
	[tilespmem:$0x1E500] =	vst v63  }
0xe6: {  	_ =	swait.ge [sflag:s17], $0x1F40  }
0xe7: {  	[sflag:s17] =	ssyncset.done $0x0  }
0xe8: {  	p1 =	seq.s32 s8, $0x4000;
	s24 =	sadd.s32 $0x380, s5;
	[sflag:s17] =	ssyncadd.s32 $0xFFFFE0C0  }
0xe9: {  	[tilespmem:s2], [sflag:$0x4] =	stream.indirect.gather [spmem:s3], $0x40, s24, s22, $0xb8;
	[tilespmem:$0x1E500] =	vst v63  }
.Ltmp8:
0xea: {  	_ =	swait.ge [sflag:s0], $0x1F40;
	(pc) =	sbr.rel @p1 .LBB2_10-.Ltmp8, $4  }
0xeb: {  	[sflag:s0] =	ssyncset.done $0x0  }
0xec: {  	s24 =	sadd.s32 $0x1700, s5;
	[sflag:s0] =	ssyncadd.s32 $0xFFFFE0C0  }
0xed: {  	[spmem:s4] =	stream.indirect.scatter.add.f32 [tilespmem:s28], [sflag:$0x7], $0x40, s24, s22, $0xb8;
	[tilespmem:$0x1E500] =	vst v63  }
0xee: {  	s24 =	sadd.s32 $0x1780, s5  }
0xef: {  	_ =	swait.ge [sflag:s7], $0x1F40  }
0xf0: {  	[sflag:s7] =	ssyncset.done $0x0  }
0xf1: {  	s26 =	sadd.s32 $0x400, s5;
	[sflag:s7] =	ssyncadd.s32 $0xFFFFE0C0  }
0xf2: {  	[tilespmem:s23], [sflag:$0x1] =	stream.indirect.gather [spmem:s3], $0x40, s26, s22, $0xb8;
	[tilespmem:$0x1E500] =	vst v63  }
0xf3: {  	_ =	swait.ge [sflag:s12], $0x1F40  }
0xf4: {  	[sflag:s12] =	ssyncset.done $0x0  }
0xf5: {  	[sflag:s12] =	ssyncadd.s32 $0xFFFFE0C0  }
0xf6: {  	[spmem:s4] =	stream.indirect.scatter.add.f32 [tilespmem:s2], [sflag:$0x8], $0x40, s24, s22, $0xb8;
	[tilespmem:$0x1E500] =	vst v63  }
.Ltmp9:
0xf7: {  	_ = 	snop;
	(pc) =	sbr.rel .LBB2_8-.Ltmp9, $4  }
0xf8: {  	_ =	swait.ge [sflag:s14], $0x1F40  }
0xf9: {  	s8 =	sadd.s32 $0x800, s8;
	[sflag:s14] =	ssyncset.done $0x0  }
0xfa: {  	s26 =	simm.s32 $0x10;
	s24 =	sadd.s32 $0x480, s5;
	[sflag:s14] =	ssyncadd.s32 $0xFFFFE0C0  }
0xfb: {  	[tilespmem:s25], [sflag:$0x2] =	stream.indirect.gather [spmem:s3], $0x40, s24, s22, $0xb8;
	[tilespmem:$0x1E500] =	vst v63  }
.LBB2_12:
0xfc: {  	_ =	sfence.sel $0x180000  }
0xfd: {  	[bflag:$0x0] =	sbarrier.arrive $0xFFFF  }
0xfe: {  	_ =	strace $0x9000004A  }
0xff: {  	s0 =	stileid.u32;
	[bflag:$0x2] =	sbarrier.arrive $0xFFFF  }
0x100: {  	p0 =	sne.s32 s0, $0x0;
	s0 =	rddreg [dreg:$0x4]  }
0x101: {  	s0 =	sadd.s32 @!p0 $0x100000, s0  }
0x102: {  	[sflag:s0] =	ssyncadd.tile.s32 @!p0 $0x1;
	_ =	shalt  }
.Lfunc_end2:
_tile_overlayer_lowered:
.L_overlay_start_2:
0x103: {  	(tag) =	ssettag $0x2  }
0x104: {  	s0 =	rddreg [dreg:$0x0];
	s2 =	stileid.u32  }
0x105: {  	s1 =	rddreg [dreg:$0x1];
	p0 =	sne.s32 s2, $0x0  }
0x106: {  	s3 =	rddreg [dreg:$0x2];
	[bflag:$0x3] =	sbarrier.arrive $0xFFFF;
	s2 =	simm.s32 @!p0 $0x1C09  }
0x107: {  	[timem:s3], [sflag:s2] =	dma.local @!p0 [hbm:s0], s1  }
0x108: {  	s0 =	simm.s32 @!p0 $0x9  }
0x109: {  	_ =	swait.ge @!p0 [sflag:s0], s1  }
0x10a: {  	s1 =	ssub.s32 @!p0 $0x0, s1;
	[sflag:s0] =	ssyncset.done @!p0 $0x0  }
0x10b: {  	[sflag:s0] =	ssyncadd.s32 @!p0 s1  }
0x10c: {  	[bflag:$0x3] =	sbarrier.arrive $0xFFFF  }
0x10d: {  	_ =	shalt  }

// kernel: kernel.14.cloned.1.call-start
scs
__scs_entry_jumppad:
0x0: {  	(pc) =	sbr.rel $0x88, $3  }
0x1: {  	(tag) =	ssettag $0x0;
	lr =	simm.s32 $0x1  }
0x2: {  	[smem:$0x3F9B] =	sst lr;
	_ =	strace $0xD0000000  }
0x3: {  	_ = 	snop  }
0x4: {  	_ = 	snop  }
0x5: {  	_ = 	snop  }
0x6: {  	_ = 	snop  }
0x7: {  	_ = 	snop  }
__scs_overlays_trampoline_lowered:
0x8: {  	[smem:$0x3FAA] =	sst s0  }
0x9: {  	[smem:$0x3FAB] =	sst s1  }
0xa: {  	[smem:$0x3FAC] =	sst s2  }
0xb: {  	[smem:$0x3FAD] =	sst s3  }
0xc: {  	[smem:$0x3FAE] =	sst s4  }
0xd: {  	[smem:$0x3FAF] =	sst s5  }
0xe: {  	[smem:$0x3FB0] =	sst s6  }
0xf: {  	[smem:$0x3FB1] =	sst s7  }
0x10: {  	[smem:$0x3FB2] =	sst s8  }
0x11: {  	[smem:$0x3FB3] =	sst s9;
	s0 =	simm.s32 @!p0 $0x0  }
0x12: {  	s1 =	sld [smem:$0x3F99];
	s0 =	simm.s32 @p0 $0x1  }
0x13: {  	[smem:$0x3FB4] =	sst s0;
	s0 =	simm.s32 @!p1 $0x0  }
0x14: {  	s2 =	sld [smem:$0x3F98];
	s0 =	simm.s32 @p1 $0x1  }
0x15: {  	[smem:$0x3FB5] =	sst s0;
	s0 =	simm.s32 @!p2 $0x0  }
0x16: {  	s3 =	sld [smem:$0x3FDB];
	s0 =	simm.s32 @p2 $0x1  }
0x17: {  	s4 =	simm.s32 $0x1BF5;
	[smem:$0x3FB7] =	sst s0  }
0x18: {  	s0 =	sld [smem:$0x3F9A];
	_ =	swait.ge [sflag:s4], $0x0  }
0x19: {  	s7 =	sld [smem:$0x3F9B]  }
0x1a: {  	s8 =	sadd.s32 $0xFFFFE003, lr  }
0x1b: {  	s9 =	sadd.s32 $0xFFFFFEF7, lr;
	s5 =	simm.s32 $0xFFFFFFFF;
	p2 =	slt.u32 s8, $0xFFFFF086  }
0x1c: {  	p1 =	slt.u32 s9, $0xF7A;
	s5 =	simm.s32 @!p2 $0x0  }
0x1d: {  	s5 =	simm.s32 @p1 $0x1;
	p0 =	seq.s32 s7, s2  }
0x1e: {  	s7 =	smul.u32 @!p0 $0xF7A, s2;
	p2 =	seq.s32 @!p0 s5, $0x0  }
0x1f: {  	s9 =	smul.u32 $0xF7A, s1;
	s8 =	simm.s32 @!p0 $0x1BF5;
	p2 =	por !p2, p0  }
0x20: {  	[sflag:s8] =	ssyncset.s32 @!p0 $0xFFFFF086;
	s6 =	sadd.s32 @!p0 s3, s7;
	s7 =	simm.s32 @!p0 $0x108  }
0x21: {  	s3 =	sadd.s32 s3, s9;
	s6 =	sadd.s32 @!p0 $0x88, s6;
	s7 =	simm.s32 @p2 $0x1082  }
0x22: {  	[simem:s7], [sflag:s8] =	dma.local @!p0 [hbm:s6], $0xF7A  }
0x23: {  	s9 =	sor.u32 $0xD0000000, s2;
	s6 =	simm.s32 $0x108;
	_ =	swait.ge @!p0 [sflag:s8], $0x0  }
0x24: {  	s3 =	sadd.s32 $0x88, s3;
	s6 =	simm.s32 @!p1 $0x1082;
	[sflag:s4] =	ssyncset.s32 $0xFFFFF086  }
0x25: {  	[simem:s6], [sflag:s4] =	dma.local [hbm:s3], $0xF7A  }
0x26: {  	[smem:$0x3F9B] =	sst s1;
	(tag) =	ssettag s2;
	_ =	strace s9  }
0x27: {  	s1 =	sld [smem:$0x3FAB]  }
0x28: {  	s2 =	sld [smem:$0x3FAC]  }
0x29: {  	s4 =	sld [smem:$0x3FAE]  }
0x2a: {  	p0 =	seq.s32 s5, $0x0;
	s5 =	sld [smem:$0x3FAF]  }
0x2b: {  	s6 =	sld [smem:$0x3FB0]  }
0x2c: {  	s7 =	sld [smem:$0x3FB1]  }
0x2d: {  	s3 =	simm.s32 $0x108;
	s8 =	sld [smem:$0x3FB2]  }
0x2e: {  	s3 =	simm.s32 @!p0 $0x1082;
	s9 =	sld [smem:$0x3FB3]  }
0x2f: {  	lr =	sadd.s32 s0, s3;
	s0 =	sld [smem:$0x3FAA]  }
0x30: {  	s3 =	sld [smem:$0x3FAD]  }
0x31: {  	[smem:$0x3FB6] =	sst s10  }
0x32: {  	s10 =	sld [smem:$0x3FB4];
	_ =	sdelay $0x3  }
0x33: {  	p0 =	seq.s32 s10, $0x1;
	s10 =	sld [smem:$0x3FB6];
	_ =	sdelay $0x3  }
0x34: {  	[smem:$0x3FB6] =	sst s10  }
0x35: {  	s10 =	sld [smem:$0x3FB5];
	_ =	sdelay $0x3  }
0x36: {  	p1 =	seq.s32 s10, $0x1;
	s10 =	sld [smem:$0x3FB6];
	_ =	sdelay $0x3  }
0x37: {  	[smem:$0x3FB6] =	sst s10  }
0x38: {  	s10 =	sld [smem:$0x3FB7]  }
0x39: {  	_ = 	snop;
	(pc) =	sbr.ind lr, $3  }
0x3a: {  	_ = 	snop  }
0x3b: {  	_ = 	snop  }
0x3c: {  	p2 =	seq.s32 s10, $0x1;
	s10 =	sld [smem:$0x3FB6]  }
0x3d: {  	_ =	shalt  }
0x3e: {  	_ =	shalt  }
0x3f: {  	_ =	shalt  }
0x40: {  	_ =	shalt  }
0x41: {  	_ =	shalt  }
0x42: {  	_ =	shalt  }
0x43: {  	_ =	shalt  }
0x44: {  	_ =	shalt  }
0x45: {  	_ =	shalt  }
0x46: {  	_ =	shalt  }
0x47: {  	_ =	shalt  }
0x48: {  	_ =	shalt  }
0x49: {  	_ =	shalt  }
0x4a: {  	_ =	shalt  }
0x4b: {  	_ =	shalt  }
0x4c: {  	_ =	shalt  }
0x4d: {  	_ =	shalt  }
0x4e: {  	_ =	shalt  }
0x4f: {  	_ =	shalt  }
0x50: {  	_ =	shalt  }
0x51: {  	_ =	shalt  }
0x52: {  	_ =	shalt  }
0x53: {  	_ =	shalt  }
0x54: {  	_ =	shalt  }
0x55: {  	_ =	shalt  }
0x56: {  	_ =	shalt  }
0x57: {  	_ =	shalt  }
0x58: {  	_ =	shalt  }
0x59: {  	_ =	shalt  }
0x5a: {  	_ =	shalt  }
0x5b: {  	_ =	shalt  }
0x5c: {  	_ =	shalt  }
0x5d: {  	_ =	shalt  }
0x5e: {  	_ =	shalt  }
0x5f: {  	_ =	shalt  }
0x60: {  	_ =	shalt  }
0x61: {  	_ =	shalt  }
0x62: {  	_ =	shalt  }
0x63: {  	_ =	shalt  }
0x64: {  	_ =	shalt  }
0x65: {  	_ =	shalt  }
0x66: {  	_ =	shalt  }
0x67: {  	_ =	shalt  }
0x68: {  	_ =	shalt  }
0x69: {  	_ =	shalt  }
0x6a: {  	_ =	shalt  }
0x6b: {  	_ =	shalt  }
0x6c: {  	_ =	shalt  }
0x6d: {  	_ =	shalt  }
0x6e: {  	_ =	shalt  }
0x6f: {  	_ =	shalt  }
0x70: {  	_ =	shalt  }
0x71: {  	_ =	shalt  }
0x72: {  	_ =	shalt  }
0x73: {  	_ =	shalt  }
0x74: {  	_ =	shalt  }
0x75: {  	_ =	shalt  }
0x76: {  	_ =	shalt  }
0x77: {  	_ =	shalt  }
0x78: {  	_ =	shalt  }
0x79: {  	_ =	shalt  }
0x7a: {  	_ =	shalt  }
0x7b: {  	_ =	shalt  }
0x7c: {  	_ =	shalt  }
0x7d: {  	_ =	shalt  }
0x7e: {  	_ =	shalt  }
0x7f: {  	_ =	shalt  }
0x80: {  	_ =	shalt  }
0x81: {  	_ =	shalt  }
0x82: {  	_ =	shalt  }
0x83: {  	_ =	shalt  }
0x84: {  	_ =	shalt  }
0x85: {  	_ =	shalt  }
0x86: {  	_ =	shalt  }
0x87: {  	_ =	shalt  }
.Lfunc_end0:
.L_simem_size_0:
called_computation.2_lowered:
.L_overlay_start_0:
0x88: {  	s2 =	sld [smem:$0x3FD9]  }
0x89: {  	s3 =	sld [smem:$0x3FFE];
	_ =	sdelay $0x1  }
0x8a: {  	s1 =	srdreg.scid  }
0x8b: {  	s0 =	sand.u32 $0x1, s1  }
0x8c: {  	s17 =	sshll.u32 s0, $0xA;
	s2 =	sadd.s32 s3, s2  }
0x8d: {  	s2 =	sadd.s32 s2, s17  }
0x8e: {  	[smem:$0x3FC2] =	sst s2  }
0x8f: {  	_ = 	snop  }
0x90: {  	s2 =	sld [smem:$0x3FD0];
	(tm) =	ssettm $0x1  }
0x91: {  	s18 =	sld [smem:$0x3FFB];
	_ =	sdelay $0x3  }
0x92: {  	_ =	strace s18  }
0x93: {  	s3 =	sld [smem:$0x3FFC];
	_ =	sdelay $0x3  }
0x94: {  	_ =	strace s3  }
0x95: {  	s3 =	sld [smem:$0x3FFD];
	_ =	sdelay $0x3  }
0x96: {  	_ =	strace s3  }
0x97: {  	_ =	strace $0x8FFFFFFF  }
0x98: {  	s19 =	sld [smem:$0x3FDB];
	_ =	sdelay $0x1  }
0x99: {  	s4 =	simm.s32 $_scs_section_size  }
0x9a: {  	s5 =	simm.s32 $_size__tile_overlayer_lowered;
	s6 =	simm.s32 $_tile_overlayer_lowered  }
0x9b: {  	s22 =	simm.s32 $0x1BFF;
	s21 =	sshll.u32 s6, $0x1;
	s3 =	sadd.s32 s4, s19  }
0x9c: {  	s7 =	simm.s32 $0x0;
	s20 =	sshll.u32 s5, $0x1;
	s5 =	sadd.s32 s21, s3  }
0x9d: {  	[timem:s7], [sflag:s22] =	dma.local [hbm:s5], s20  }
0x9e: {  	_ =	swait.ge [sflag:s22], s20  }
0x9f: {  	s4 =	ssub.s32 $0x0, s20;
	[sflag:s22] =	ssyncset.done $0x0  }
0xa0: {  	[sflag:s22] =	ssyncadd.s32 s4;
	_ =	sdelay $0x1  }
0xa1: {  	s23 =	simm.s32 $0x1B8B  }
0xa2: {  	_ =	swait.ge [sflag:s23], $0x1  }
0xa3: {  	[sflag:s23] =	ssyncset.done $0x0  }
0xa4: {  	s25 =	simm.s32 $0x1B8E;
	s24 =	sld [smem:$0x3FFE];
	[sflag:s23] =	ssyncadd.s32 $0xFFFFFFFF  }
0xa5: {  	s26 =	simm.s32 $execute0_lowered;
	[smem:$0x3FD2] =	sst s25  }
0xa6: {  	s5 =	sshll.u32 s26, $0x1;
	_ =	strace $0x8000004C;
	[dreg:$0x1] =	wrdreg $0xFFFFFFFF  }
0xa7: {  	s28 =	simm.s32 $_size_execute0_lowered;
	s3 =	sadd.s32 s3, s5;
	[dreg:$0x0] =	wrdreg $0x0  }
0xa8: {  	s5 =	sshll.u32 s28, $0x1;
	[dreg:$0x2] =	wrdreg s3  }
0xa9: {  	[dreg:$0x3] =	wrdreg s5  }
0xaa: {  	[dreg:$0x4] =	wrdreg $0xC0  }
0xab: {  	_ =	task [dreg:s7], $0x5FFFF  }
0xac: {  	[dreg:$0x1] =	wrdreg $0xFFFFFFFF  }
0xad: {  	[dreg:$0x0] =	wrdreg $0x60  }
0xae: {  	[dreg:$0x2] =	wrdreg s24  }
0xaf: {  	[dreg:$0x3] =	wrdreg s2  }
0xb0: {  	[dreg:$0x4] =	wrdreg $0xADC00  }
0xb1: {  	[dreg:$0x5] =	wrdreg $0x125C00  }
0xb2: {  	[dreg:$0x6] =	wrdreg $0x9  }
0xb3: {  	_ =	task.clear_ibuf [dreg:s7], $0x7FFFF;
	_ =	strace $0x9000004C  }
0xb4: {  	s29 =	simm.s32 $0x9;
	_ =	strace $0x8000004E  }
0xb5: {  	_ =	swait.ge [sflag:s29], $0x1  }
0xb6: {  	[sflag:s29] =	ssyncadd.s32 $0xFFFFFFFF  }
0xb7: {  	_ =	strace $0x9000004E  }
0xb8: {  	_ =	sfence  }
0xb9: {  	s30 =	sld [smem:$0x0];
	_ =	sdelay $0x2  }
0xba: {  	s31 =	sshll.u32 s1, $0xD;
	s1 =	sshrl.u32 s1, $0x2  }
0xbb: {  	s3 =	sand.u32 $0x4000, s31;
	s1 =	sadd.s32 s1, s30  }
0xbc: {  	s0 =	sor.u32 s3, s0;
	s1 =	sshll.u32 s1, $0x11  }
0xbd: {  	s0 =	sor.u32 s1, s0  }
0xbe: {  	s0 =	sadd.s32 $0x8F2B, s0  }
0xbf: {  	[sflag:s0] =	ssyncadd.remote.s32 $0x1  }
0xc0: {  	_ =	sfence.sel $0xFFFF  }
0xc1: {  	[dreg:$0x0] =	wrdreg $0xFFFFFFFF;
	(pc) =	sbr.abs _section_cstart, $3  }
0xc2: {  	[dreg:$0x1] =	wrdreg $0xFFFFFFFF  }
0xc3: {  	_ =	task.clear_ibuf [dreg:s7], $0x2FFFF;
	_ =	strace $0x9FFFFFFF  }
0xc4: {  	(tm) =	ssettm $0x7FFFFFFF  }
0xc5: {  	_ =	shalt  }
tec
execute0_lowered:
.L_overlay_start_1:
0x0: {  	(tag) =	ssettag $0x1  }
0x1: {  	s0 =	rddreg [dreg:$0x0];
	s10 =	stileid.u32  }
0x2: {  	s1 =	srdreg.scid;
	s3 =	rddreg [dreg:$0x2]  }
0x3: {  	s4 =	rddreg [dreg:$0x3];
	s5 =	simm.s32 $0x0;
	s13 =	simm.s32 $0x1  }
0x4: {  	s14 =	simm.s32 $0x6;
	s15 =	simm.s32 $0x10;
	s16 =	simm.s32 $0x9  }
0x5: {  	s18 =	simm.s32 $0x2800;
	s19 =	simm.s32 $0x7D;
	s20 =	simm.s32 $0x5000  }
0x6: {  	s22 =	simm.s32 $0x6770;
	s29 =	simm.s32 $0x9650;
	s30 =	simm.s32 $0x3  }
0x7: {  	s28 =	simm.s32 $0x8;
	s31 =	simm.s32 $0x0;
	s1 =	sand.u32 $0x1, s1  }
0x8: {  	s2 =	sshll.u32 s10, $0x1;
	s6 =	smul.u32 $0x14000, s10;
	[smem:$0x7FF] =	sst s5  }
0x9: {  	s9 =	smul.u32 $0x7800, s10;
	s26 =	sshll.u32 s10, $0x6;
	s2 =	sor.u32 s1, s2  }
0xa: {  	s8 =	smul.u32 $0x140000, s1;
	_ =	strace $0x8000004D;
	s1 =	ssub.s32 $0x2, s1  }
0xb: {  	s2 =	smul.u32 $0x2800, s2;
	s7 =	sshrl.u32 s6, $0x3;
	s24 =	sshrl.u32 s1, $0x1  }
0xc: {  	s12 =	sadd.s32 s9, s3;
	s17 =	sadd.s32 s9, s4;
	s7 =	sadd.s32 s7, s0  }
0xd: {  	s6 =	sadd.s32 s6, s8;
	s1 =	ssub.s32 s1, s24;
	s12 =	sshrl.u32 s12, $0x3  }
0xe: {  	s17 =	sshrl.u32 s17, $0x3;
	s24 =	simm.s32 $0x7EE0;
	s2 =	sshrl.u32 s2, $0x3  }
.Ltmp0:
0xf: {  	s6 =	sshrl.u32 s6, $0x3;
	s25 =	sadd.s32 $0x2AA00, s7;
	(pc) =	sbr.rel .LBB2_1-.Ltmp0, $4  }
0x10: {  	s7 =	sor.u32 $0x1C09, s26;
	s11 =	smax.u32 s1, $0x1;
	s1 =	simm.s32 $0x4  }
0x11: {  	s26 =	simm.s32 $0x7;
	s2 =	sadd.s32 s2, s0;
	s0 =	sadd.s32 s6, s0  }
0x12: {  	[dreg:$0x5] =	wrdreg s25;
	s25 =	simm.s32 $0x2;
	s8 =	sadd.s32 $0x16A00, s2  }
0x13: {  	s9 =	sadd.s32 $0x20A00, s2;
	s10 =	sadd.s32 $0x52A00, s0;
	s2 =	simm.s32 $0x5  }
.LBB2_4:
0x14: {  	_ =	swait.ge [sflag:s1], $0x1770  }
0x15: {  	[sflag:s1] =	ssyncset.done $0x0  }
0x16: {  	[sflag:s1] =	ssyncadd.s32 $0xFFFFE890  }
0x17: {  	[spmem:s4] =	stream.indirect.scatter.add.f32 [tilespmem:s29], [sflag:$0x8], $0x30, s23, s19, $0xb8;
	[tilespmem:$0x19DC0] =	vst v63  }
0x18: {  	_ =	swait.ge [sflag:s2], $0x1770  }
0x19: {  	[sflag:s2] =	ssyncset.done $0x0  }
0x1a: {  	[sflag:s2] =	ssyncadd.s32 $0xFFFFE890  }
0x1b: {  	_ =	swait.ge [sflag:s14], $0x1770  }
0x1c: {  	[sflag:s14] =	ssyncset.done $0x0  }
0x1d: {  	[sflag:s14] =	ssyncadd.s32 $0xFFFFE890  }
0x1e: {  	_ =	swait.ge [sflag:s26], $0x1770  }
0x1f: {  	[sflag:s26] =	ssyncset.done $0x0  }
0x20: {  	[sflag:s26] =	ssyncadd.s32 $0xFFFFE890  }
0x21: {  	_ =	swait.ge [sflag:s28], $0x1770  }
0x22: {  	s31 =	sadd.s32 $0x1, s31;
	[sflag:s28] =	ssyncset.done $0x0  }
0x23: {  	p0 =	sne.s32 s31, s11;
	[sflag:s28] =	ssyncadd.s32 $0xFFFFE890  }
.Ltmp1:
0x24: {  	[bflag:$0x0] =	sbarrier.arrive $0xFFFF;
	(pc) =	sbr.rel @!p0 .LBB2_5-.Ltmp1, $4  }
0x25: {  	[hbm:s10@s15], [sflag:s7] =	dma.strided [spmem:s17@s14], $0xF00, s13, $0x6   }
0x26: {  	_ =	swait.ge [sflag:s16], $0xF00  }
0x27: {  	[sflag:s16] =	ssyncset.done $0x0  }
0x28: {  	[sflag:s16] =	ssyncadd.s32 $0xFFFFF100  }
.LBB2_1:
0x29: {  	s0 =	rddreg [dreg:$0x5]  }
0x2a: {  	[spmem:s12@s14], [sflag:s7] =	dma.strided [hbm:s0@s15], $0xF00, s13, $0x6   }
0x2b: {  	_ =	swait.ge [sflag:s16], $0xF00  }
0x2c: {  	[sflag:s16] =	ssyncset.done $0x0  }
0x2d: {  	[sflag:s16] =	ssyncadd.s32 $0xFFFFF100  }
0x2e: {  	s6 =	rddreg [dreg:$0x1]  }
0x2f: {  	[spmem:s17], [sflag:s7] =	dma.local [hbm:s6], $0xF00  }
0x30: {  	_ =	swait.ge [sflag:s16], $0xF00  }
0x31: {  	[sflag:s16] =	ssyncset.done $0x0  }
0x32: {  	[sflag:s16] =	ssyncadd.s32 $0xFFFFF100  }
0x33: {  	[bflag:$0x0] =	sbarrier.arrive $0xFFFF  }
0x34: {  	[tilespmem:s5], [sflag:$0x9] =	stream.linear.gather [hbm4b:s8+s5], $0x2800, $0x38;
	[tilespmem:$0x19DC0] =	vst v63  }
0x35: {  	_ =	swait.ge [sflag:s16], $0x2800  }
0x36: {  	[sflag:s16] =	ssyncset.done $0x0  }
0x37: {  	[sflag:s16] =	ssyncadd.s32 $0xFFFFD800  }
0x38: {  	[tilespmem:s18], [sflag:$0x9] =	stream.linear.gather [hbm4b:s9+s5], $0x2800, $0x38;
	[tilespmem:$0x19DC0] =	vst v63  }
0x39: {  	_ =	swait.ge [sflag:s16], $0x2800  }
0x3a: {  	[sflag:s16] =	ssyncset.done $0x0  }
0x3b: {  	[sflag:s16] =	ssyncadd.s32 $0xFFFFD800  }
0x3c: {  	[tilespmem:s20], [sflag:$0x1] =	stream.indirect.gather [spmem:s3], $0x30, s5, s19, $0xb8;
	[tilespmem:$0x19DC0] =	vst v63  }
0x3d: {  	s21 =	simm.s32 $0x80  }
0x3e: {  	[tilespmem:s22], [sflag:$0x2] =	stream.indirect.gather [spmem:s3], $0x30, s21, s19, $0xb8;
	[tilespmem:$0x19DC0] =	vst v63  }
0x3f: {  	_ =	swait.ge [sflag:s13], $0x1770  }
0x40: {  	[sflag:s13] =	ssyncset.done $0x0  }
0x41: {  	[sflag:s13] =	ssyncadd.s32 $0xFFFFE890  }
0x42: {  	[spmem:s4] =	stream.indirect.scatter.add.f32 [tilespmem:s20], [sflag:$0x5], $0x30, s18, s19, $0xb8;
	[tilespmem:$0x19DC0] =	vst v63  }
0x43: {  	s23 =	simm.s32 $0x100  }
0x44: {  	[tilespmem:s24], [sflag:$0x3] =	stream.indirect.gather [spmem:s3], $0x30, s23, s19, $0xb8;
	[tilespmem:$0x19DC0] =	vst v63  }
0x45: {  	_ =	swait.ge [sflag:s25], $0x1770  }
0x46: {  	[sflag:s25] =	ssyncset.done $0x0  }
0x47: {  	s6 =	simm.s32 $0x2880;
	[sflag:s25] =	ssyncadd.s32 $0xFFFFE890  }
0x48: {  	[spmem:s4] =	stream.indirect.scatter.add.f32 [tilespmem:s22], [sflag:$0x6], $0x30, s6, s19, $0xb8;
	[tilespmem:$0x19DC0] =	vst v63  }
0x49: {  	s21 =	simm.s32 $0x180  }
0x4a: {  	[tilespmem:s29], [sflag:$0x4] =	stream.indirect.gather [spmem:s3], $0x30, s21, s19, $0xb8;
	[tilespmem:$0x19DC0] =	vst v63  }
0x4b: {  	_ =	swait.ge [sflag:s30], $0x1770  }
0x4c: {  	[sflag:s30] =	ssyncset.done $0x0  }
0x4d: {  	s23 =	simm.s32 $0x2900;
	[sflag:s30] =	ssyncadd.s32 $0xFFFFE890  }
0x4e: {  	[spmem:s4] =	stream.indirect.scatter.add.f32 [tilespmem:s24], [sflag:$0x7], $0x30, s23, s19, $0xb8;
	[tilespmem:$0x19DC0] =	vst v63  }
0x4f: {  	_ =	swait.ge [sflag:s2], $0x1770  }
0x50: {  	[sflag:s2] =	ssyncset.done $0x0  }
0x51: {  	s6 =	simm.s32 $0x200;
	[sflag:s2] =	ssyncadd.s32 $0xFFFFE890  }
0x52: {  	[tilespmem:s20], [sflag:$0x1] =	stream.indirect.gather [spmem:s3], $0x30, s6, s19, $0xb8;
	[tilespmem:$0x19DC0] =	vst v63  }
0x53: {  	_ =	swait.ge [sflag:s1], $0x1770  }
0x54: {  	[sflag:s1] =	ssyncset.done $0x0  }
0x55: {  	s21 =	simm.s32 $0x2980;
	[sflag:s1] =	ssyncadd.s32 $0xFFFFE890  }
0x56: {  	[spmem:s4] =	stream.indirect.scatter.add.f32 [tilespmem:s29], [sflag:$0x8], $0x30, s21, s19, $0xb8;
	[tilespmem:$0x19DC0] =	vst v63  }
0x57: {  	_ =	swait.ge [sflag:s14], $0x1770  }
0x58: {  	[sflag:s14] =	ssyncset.done $0x0  }
0x59: {  	s0 =	simm.s32 $0x0;
	s23 =	simm.s32 $0x280;
	[sflag:s14] =	ssyncadd.s32 $0xFFFFE890  }
0x5a: {  	[tilespmem:s22], [sflag:$0x2] =	stream.indirect.gather [spmem:s3], $0x30, s23, s19, $0xb8;
	[tilespmem:$0x19DC0] =	vst v63  }
.LBB2_2:
0x5b: {  	_ =	swait.ge [sflag:s13], $0x1770  }
0x5c: {  	s21 =	sshra.s32 s0, $0x2;
	[sflag:s13] =	ssyncset.done $0x0  }
0x5d: {  	s23 =	sadd.s32 $0x2A00, s21;
	[sflag:s13] =	ssyncadd.s32 $0xFFFFE890  }
0x5e: {  	[spmem:s4] =	stream.indirect.scatter.add.f32 [tilespmem:s20], [sflag:$0x5], $0x30, s23, s19, $0xb8;
	[tilespmem:$0x19DC0] =	vst v63  }
0x5f: {  	_ =	swait.ge [sflag:s26], $0x1770  }
0x60: {  	[sflag:s26] =	ssyncset.done $0x0  }
0x61: {  	s6 =	sadd.s32 $0x300, s21;
	[sflag:s26] =	ssyncadd.s32 $0xFFFFE890  }
0x62: {  	[tilespmem:s24], [sflag:$0x3] =	stream.indirect.gather [spmem:s3], $0x30, s6, s19, $0xb8;
	[tilespmem:$0x19DC0] =	vst v63  }
0x63: {  	_ =	swait.ge [sflag:s25], $0x1770  }
0x64: {  	[sflag:s25] =	ssyncset.done $0x0  }
0x65: {  	s6 =	sadd.s32 $0x2A80, s21;
	[sflag:s25] =	ssyncadd.s32 $0xFFFFE890  }
0x66: {  	[spmem:s4] =	stream.indirect.scatter.add.f32 [tilespmem:s22], [sflag:$0x6], $0x30, s6, s19, $0xb8;
	[tilespmem:$0x19DC0] =	vst v63  }
0x67: {  	_ =	swait.ge [sflag:s28], $0x1770  }
0x68: {  	[sflag:s28] =	ssyncset.done $0x0  }
0x69: {  	p0 =	seq.s32 s0, $0x9000;
	s6 =	sadd.s32 $0x380, s21;
	[sflag:s28] =	ssyncadd.s32 $0xFFFFE890  }
0x6a: {  	[tilespmem:s29], [sflag:$0x4] =	stream.indirect.gather [spmem:s3], $0x30, s6, s19, $0xb8;
	[tilespmem:$0x19DC0] =	vst v63  }
.Ltmp2:
0x6b: {  	_ = 	snop;
	(pc) =	sbr.rel @p0 .LBB2_4-.Ltmp2, $4  }
0x6c: {  	_ =	swait.ge [sflag:s30], $0x1770  }
0x6d: {  	[sflag:s30] =	ssyncset.done $0x0  }
0x6e: {  	s23 =	sadd.s32 $0x2B80, s21;
	s6 =	sadd.s32 $0x2B00, s21;
	[sflag:s30] =	ssyncadd.s32 $0xFFFFE890  }
0x6f: {  	[spmem:s4] =	stream.indirect.scatter.add.f32 [tilespmem:s24], [sflag:$0x7], $0x30, s6, s19, $0xb8;
	[tilespmem:$0x19DC0] =	vst v63  }
0x70: {  	_ =	swait.ge [sflag:s2], $0x1770  }
0x71: {  	[sflag:s2] =	ssyncset.done $0x0  }
0x72: {  	s6 =	sadd.s32 $0x400, s21;
	[sflag:s2] =	ssyncadd.s32 $0xFFFFE890  }
0x73: {  	[tilespmem:s20], [sflag:$0x1] =	stream.indirect.gather [spmem:s3], $0x30, s6, s19, $0xb8;
	[tilespmem:$0x19DC0] =	vst v63  }
0x74: {  	_ =	swait.ge [sflag:s1], $0x1770  }
0x75: {  	[sflag:s1] =	ssyncset.done $0x0  }
0x76: {  	[sflag:s1] =	ssyncadd.s32 $0xFFFFE890  }
0x77: {  	[spmem:s4] =	stream.indirect.scatter.add.f32 [tilespmem:s29], [sflag:$0x8], $0x30, s23, s19, $0xb8;
	[tilespmem:$0x19DC0] =	vst v63  }
.Ltmp3:
0x78: {  	_ = 	snop;
	(pc) =	sbr.rel .LBB2_2-.Ltmp3, $4  }
0x79: {  	_ =	swait.ge [sflag:s14], $0x1770  }
0x7a: {  	[sflag:s14] =	ssyncset.done $0x0  }
0x7b: {  	s0 =	sadd.s32 $0x800, s0;
	s23 =	sadd.s32 $0x480, s21;
	[sflag:s14] =	ssyncadd.s32 $0xFFFFE890  }
0x7c: {  	[tilespmem:s22], [sflag:$0x2] =	stream.indirect.gather [spmem:s3], $0x30, s23, s19, $0xb8;
	[tilespmem:$0x19DC0] =	vst v63  }
.LBB2_5:
0x7d: {  	_ =	sfence.sel $0x180000  }
0x7e: {  	[bflag:$0x0] =	sbarrier.arrive $0xFFFF  }
0x7f: {  	_ =	strace $0x9000004D  }
0x80: {  	s0 =	stileid.u32;
	[bflag:$0x2] =	sbarrier.arrive $0xFFFF  }
0x81: {  	p0 =	sne.s32 s0, $0x0;
	s0 =	rddreg [dreg:$0x4]  }
0x82: {  	s0 =	sadd.s32 @!p0 $0x100000, s0  }
0x83: {  	[sflag:s0] =	ssyncadd.tile.s32 @!p0 $0x1;
	_ =	shalt  }
.Lfunc_end2:
_tile_overlayer_lowered:
.L_overlay_start_2:
0x84: {  	(tag) =	ssettag $0x2  }
0x85: {  	s0 =	rddreg [dreg:$0x0];
	s2 =	stileid.u32  }
0x86: {  	s1 =	rddreg [dreg:$0x1];
	p0 =	sne.s32 s2, $0x0  }
0x87: {  	s3 =	rddreg [dreg:$0x2];
	[bflag:$0x3] =	sbarrier.arrive $0xFFFF;
	s2 =	simm.s32 @!p0 $0x1C09  }
0x88: {  	[timem:s3], [sflag:s2] =	dma.local @!p0 [hbm:s0], s1  }
0x89: {  	s0 =	simm.s32 @!p0 $0x9  }
0x8a: {  	_ =	swait.ge @!p0 [sflag:s0], s1  }
0x8b: {  	s1 =	ssub.s32 @!p0 $0x0, s1;
	[sflag:s0] =	ssyncset.done @!p0 $0x0  }
0x8c: {  	[sflag:s0] =	ssyncadd.s32 @!p0 s1  }
0x8d: {  	[bflag:$0x3] =	sbarrier.arrive $0xFFFF  }
0x8e: {  	_ =	shalt  }

// kernel: kernel.8.cloned.1.call-start
scs
__scs_entry_jumppad:
0x0: {  	(pc) =	sbr.rel $0x88, $3  }
0x1: {  	(tag) =	ssettag $0x0;
	lr =	simm.s32 $0x1  }
0x2: {  	[smem:$0x3F9B] =	sst lr;
	_ =	strace $0xD0000000  }
0x3: {  	_ = 	snop  }
0x4: {  	_ = 	snop  }
0x5: {  	_ = 	snop  }
0x6: {  	_ = 	snop  }
0x7: {  	_ = 	snop  }
__scs_overlays_trampoline_lowered:
0x8: {  	[smem:$0x3FAA] =	sst s0  }
0x9: {  	[smem:$0x3FAB] =	sst s1  }
0xa: {  	[smem:$0x3FAC] =	sst s2  }
0xb: {  	[smem:$0x3FAD] =	sst s3  }
0xc: {  	[smem:$0x3FAE] =	sst s4  }
0xd: {  	[smem:$0x3FAF] =	sst s5  }
0xe: {  	[smem:$0x3FB0] =	sst s6  }
0xf: {  	[smem:$0x3FB1] =	sst s7  }
0x10: {  	[smem:$0x3FB2] =	sst s8  }
0x11: {  	[smem:$0x3FB3] =	sst s9;
	s0 =	simm.s32 @!p0 $0x0  }
0x12: {  	s1 =	sld [smem:$0x3F99];
	s0 =	simm.s32 @p0 $0x1  }
0x13: {  	[smem:$0x3FB4] =	sst s0;
	s0 =	simm.s32 @!p1 $0x0  }
0x14: {  	s2 =	sld [smem:$0x3F98];
	s0 =	simm.s32 @p1 $0x1  }
0x15: {  	[smem:$0x3FB5] =	sst s0;
	s0 =	simm.s32 @!p2 $0x0  }
0x16: {  	s3 =	sld [smem:$0x3FDB];
	s0 =	simm.s32 @p2 $0x1  }
0x17: {  	s4 =	simm.s32 $0x1BF5;
	[smem:$0x3FB7] =	sst s0  }
0x18: {  	s0 =	sld [smem:$0x3F9A];
	_ =	swait.ge [sflag:s4], $0x0  }
0x19: {  	s7 =	sld [smem:$0x3F9B]  }
0x1a: {  	s8 =	sadd.s32 $0xFFFFE003, lr  }
0x1b: {  	s9 =	sadd.s32 $0xFFFFFEF7, lr;
	s5 =	simm.s32 $0xFFFFFFFF;
	p2 =	slt.u32 s8, $0xFFFFF086  }
0x1c: {  	p1 =	slt.u32 s9, $0xF7A;
	s5 =	simm.s32 @!p2 $0x0  }
0x1d: {  	s5 =	simm.s32 @p1 $0x1;
	p0 =	seq.s32 s7, s2  }
0x1e: {  	s7 =	smul.u32 @!p0 $0xF7A, s2;
	p2 =	seq.s32 @!p0 s5, $0x0  }
0x1f: {  	s9 =	smul.u32 $0xF7A, s1;
	s8 =	simm.s32 @!p0 $0x1BF5;
	p2 =	por !p2, p0  }
0x20: {  	[sflag:s8] =	ssyncset.s32 @!p0 $0xFFFFF086;
	s6 =	sadd.s32 @!p0 s3, s7;
	s7 =	simm.s32 @!p0 $0x108  }
0x21: {  	s3 =	sadd.s32 s3, s9;
	s6 =	sadd.s32 @!p0 $0x88, s6;
	s7 =	simm.s32 @p2 $0x1082  }
0x22: {  	[simem:s7], [sflag:s8] =	dma.local @!p0 [hbm:s6], $0xF7A  }
0x23: {  	s9 =	sor.u32 $0xD0000000, s2;
	s6 =	simm.s32 $0x108;
	_ =	swait.ge @!p0 [sflag:s8], $0x0  }
0x24: {  	s3 =	sadd.s32 $0x88, s3;
	s6 =	simm.s32 @!p1 $0x1082;
	[sflag:s4] =	ssyncset.s32 $0xFFFFF086  }
0x25: {  	[simem:s6], [sflag:s4] =	dma.local [hbm:s3], $0xF7A  }
0x26: {  	[smem:$0x3F9B] =	sst s1;
	(tag) =	ssettag s2;
	_ =	strace s9  }
0x27: {  	s1 =	sld [smem:$0x3FAB]  }
0x28: {  	s2 =	sld [smem:$0x3FAC]  }
0x29: {  	s4 =	sld [smem:$0x3FAE]  }
0x2a: {  	p0 =	seq.s32 s5, $0x0;
	s5 =	sld [smem:$0x3FAF]  }
0x2b: {  	s6 =	sld [smem:$0x3FB0]  }
0x2c: {  	s7 =	sld [smem:$0x3FB1]  }
0x2d: {  	s3 =	simm.s32 $0x108;
	s8 =	sld [smem:$0x3FB2]  }
0x2e: {  	s3 =	simm.s32 @!p0 $0x1082;
	s9 =	sld [smem:$0x3FB3]  }
0x2f: {  	lr =	sadd.s32 s0, s3;
	s0 =	sld [smem:$0x3FAA]  }
0x30: {  	s3 =	sld [smem:$0x3FAD]  }
0x31: {  	[smem:$0x3FB6] =	sst s10  }
0x32: {  	s10 =	sld [smem:$0x3FB4];
	_ =	sdelay $0x3  }
0x33: {  	p0 =	seq.s32 s10, $0x1;
	s10 =	sld [smem:$0x3FB6];
	_ =	sdelay $0x3  }
0x34: {  	[smem:$0x3FB6] =	sst s10  }
0x35: {  	s10 =	sld [smem:$0x3FB5];
	_ =	sdelay $0x3  }
0x36: {  	p1 =	seq.s32 s10, $0x1;
	s10 =	sld [smem:$0x3FB6];
	_ =	sdelay $0x3  }
0x37: {  	[smem:$0x3FB6] =	sst s10  }
0x38: {  	s10 =	sld [smem:$0x3FB7]  }
0x39: {  	_ = 	snop;
	(pc) =	sbr.ind lr, $3  }
0x3a: {  	_ = 	snop  }
0x3b: {  	_ = 	snop  }
0x3c: {  	p2 =	seq.s32 s10, $0x1;
	s10 =	sld [smem:$0x3FB6]  }
0x3d: {  	_ =	shalt  }
0x3e: {  	_ =	shalt  }
0x3f: {  	_ =	shalt  }
0x40: {  	_ =	shalt  }
0x41: {  	_ =	shalt  }
0x42: {  	_ =	shalt  }
0x43: {  	_ =	shalt  }
0x44: {  	_ =	shalt  }
0x45: {  	_ =	shalt  }
0x46: {  	_ =	shalt  }
0x47: {  	_ =	shalt  }
0x48: {  	_ =	shalt  }
0x49: {  	_ =	shalt  }
0x4a: {  	_ =	shalt  }
0x4b: {  	_ =	shalt  }
0x4c: {  	_ =	shalt  }
0x4d: {  	_ =	shalt  }
0x4e: {  	_ =	shalt  }
0x4f: {  	_ =	shalt  }
0x50: {  	_ =	shalt  }
0x51: {  	_ =	shalt  }
0x52: {  	_ =	shalt  }
0x53: {  	_ =	shalt  }
0x54: {  	_ =	shalt  }
0x55: {  	_ =	shalt  }
0x56: {  	_ =	shalt  }
0x57: {  	_ =	shalt  }
0x58: {  	_ =	shalt  }
0x59: {  	_ =	shalt  }
0x5a: {  	_ =	shalt  }
0x5b: {  	_ =	shalt  }
0x5c: {  	_ =	shalt  }
0x5d: {  	_ =	shalt  }
0x5e: {  	_ =	shalt  }
0x5f: {  	_ =	shalt  }
0x60: {  	_ =	shalt  }
0x61: {  	_ =	shalt  }
0x62: {  	_ =	shalt  }
0x63: {  	_ =	shalt  }
0x64: {  	_ =	shalt  }
0x65: {  	_ =	shalt  }
0x66: {  	_ =	shalt  }
0x67: {  	_ =	shalt  }
0x68: {  	_ =	shalt  }
0x69: {  	_ =	shalt  }
0x6a: {  	_ =	shalt  }
0x6b: {  	_ =	shalt  }
0x6c: {  	_ =	shalt  }
0x6d: {  	_ =	shalt  }
0x6e: {  	_ =	shalt  }
0x6f: {  	_ =	shalt  }
0x70: {  	_ =	shalt  }
0x71: {  	_ =	shalt  }
0x72: {  	_ =	shalt  }
0x73: {  	_ =	shalt  }
0x74: {  	_ =	shalt  }
0x75: {  	_ =	shalt  }
0x76: {  	_ =	shalt  }
0x77: {  	_ =	shalt  }
0x78: {  	_ =	shalt  }
0x79: {  	_ =	shalt  }
0x7a: {  	_ =	shalt  }
0x7b: {  	_ =	shalt  }
0x7c: {  	_ =	shalt  }
0x7d: {  	_ =	shalt  }
0x7e: {  	_ =	shalt  }
0x7f: {  	_ =	shalt  }
0x80: {  	_ =	shalt  }
0x81: {  	_ =	shalt  }
0x82: {  	_ =	shalt  }
0x83: {  	_ =	shalt  }
0x84: {  	_ =	shalt  }
0x85: {  	_ =	shalt  }
0x86: {  	_ =	shalt  }
0x87: {  	_ =	shalt  }
.Lfunc_end0:
.L_simem_size_0:
called_computation_lowered:
.L_overlay_start_0:
0x88: {  	s2 =	sld [smem:$0x3FD9]  }
0x89: {  	s3 =	sld [smem:$0x3FFE];
	_ =	sdelay $0x1  }
0x8a: {  	s1 =	srdreg.scid  }
0x8b: {  	s0 =	sand.u32 $0x1, s1  }
0x8c: {  	s17 =	sshll.u32 s0, $0xA;
	s2 =	sadd.s32 s3, s2  }
0x8d: {  	s2 =	sadd.s32 s2, s17  }
0x8e: {  	[smem:$0x3FC2] =	sst s2  }
0x8f: {  	_ = 	snop  }
0x90: {  	s2 =	sld [smem:$0x3FD0];
	(tm) =	ssettm $0x1  }
0x91: {  	s18 =	sld [smem:$0x3FFB];
	_ =	sdelay $0x3  }
0x92: {  	_ =	strace s18  }
0x93: {  	s3 =	sld [smem:$0x3FFC];
	_ =	sdelay $0x3  }
0x94: {  	_ =	strace s3  }
0x95: {  	s3 =	sld [smem:$0x3FFD];
	_ =	sdelay $0x3  }
0x96: {  	_ =	strace s3  }
0x97: {  	_ =	strace $0x8FFFFFFF  }
0x98: {  	s19 =	sld [smem:$0x3FDB];
	_ =	sdelay $0x1  }
0x99: {  	s4 =	simm.s32 $_scs_section_size  }
0x9a: {  	s5 =	simm.s32 $_size__tile_overlayer_lowered;
	s6 =	simm.s32 $_tile_overlayer_lowered  }
0x9b: {  	s22 =	simm.s32 $0x1BFF;
	s21 =	sshll.u32 s6, $0x1;
	s3 =	sadd.s32 s4, s19  }
0x9c: {  	s7 =	simm.s32 $0x0;
	s20 =	sshll.u32 s5, $0x1;
	s5 =	sadd.s32 s21, s3  }
0x9d: {  	[timem:s7], [sflag:s22] =	dma.local [hbm:s5], s20  }
0x9e: {  	_ =	swait.ge [sflag:s22], s20  }
0x9f: {  	s4 =	ssub.s32 $0x0, s20;
	[sflag:s22] =	ssyncset.done $0x0  }
0xa0: {  	[sflag:s22] =	ssyncadd.s32 s4;
	_ =	sdelay $0x1  }
0xa1: {  	s23 =	simm.s32 $0x1B8B  }
0xa2: {  	_ =	swait.ge [sflag:s23], $0x1  }
0xa3: {  	[sflag:s23] =	ssyncset.done $0x0  }
0xa4: {  	s25 =	simm.s32 $0x1B8E;
	s24 =	sld [smem:$0x3FFE];
	[sflag:s23] =	ssyncadd.s32 $0xFFFFFFFF  }
0xa5: {  	s26 =	simm.s32 $execute0_lowered;
	[smem:$0x3FD2] =	sst s25  }
0xa6: {  	s5 =	sshll.u32 s26, $0x1;
	_ =	strace $0x80000046;
	[dreg:$0x1] =	wrdreg $0xFFFFFFFF  }
0xa7: {  	s28 =	simm.s32 $_size_execute0_lowered;
	s3 =	sadd.s32 s3, s5;
	[dreg:$0x0] =	wrdreg $0x0  }
0xa8: {  	s5 =	sshll.u32 s28, $0x1;
	[dreg:$0x2] =	wrdreg s3  }
0xa9: {  	[dreg:$0x3] =	wrdreg s5  }
0xaa: {  	[dreg:$0x4] =	wrdreg $0xC0  }
0xab: {  	_ =	task [dreg:s7], $0x5FFFF  }
0xac: {  	[dreg:$0x1] =	wrdreg $0xFFFFFFFF  }
0xad: {  	[dreg:$0x0] =	wrdreg $0x60  }
0xae: {  	[dreg:$0x2] =	wrdreg s24  }
0xaf: {  	[dreg:$0x3] =	wrdreg s2  }
0xb0: {  	[dreg:$0x4] =	wrdreg $0x28800  }
0xb1: {  	[dreg:$0x5] =	wrdreg $0x9  }
0xb2: {  	_ =	task.clear_ibuf [dreg:s7], $0x6FFFF;
	_ =	strace $0x90000046  }
0xb3: {  	s29 =	simm.s32 $0x9;
	_ =	strace $0x80000048  }
0xb4: {  	_ =	swait.ge [sflag:s29], $0x1  }
0xb5: {  	[sflag:s29] =	ssyncadd.s32 $0xFFFFFFFF  }
0xb6: {  	_ =	strace $0x90000048  }
0xb7: {  	_ =	sfence  }
0xb8: {  	s30 =	sld [smem:$0x0];
	_ =	sdelay $0x2  }
0xb9: {  	s31 =	sshll.u32 s1, $0xD;
	s1 =	sshrl.u32 s1, $0x2  }
0xba: {  	s3 =	sand.u32 $0x4000, s31;
	s1 =	sadd.s32 s1, s30  }
0xbb: {  	s0 =	sor.u32 s3, s0;
	s1 =	sshll.u32 s1, $0x11  }
0xbc: {  	s0 =	sor.u32 s1, s0  }
0xbd: {  	s0 =	sadd.s32 $0x8F2B, s0  }
0xbe: {  	[sflag:s0] =	ssyncadd.remote.s32 $0x1  }
0xbf: {  	_ =	sfence.sel $0xFFFF  }
0xc0: {  	[dreg:$0x0] =	wrdreg $0xFFFFFFFF;
	(pc) =	sbr.abs _section_cstart, $3  }
0xc1: {  	[dreg:$0x1] =	wrdreg $0xFFFFFFFF  }
0xc2: {  	_ =	task.clear_ibuf [dreg:s7], $0x2FFFF;
	_ =	strace $0x9FFFFFFF  }
0xc3: {  	(tm) =	ssettm $0x7FFFFFFF  }
tec
execute0_lowered:
.L_overlay_start_1:
0x0: {  	(tag) =	ssettag $0x1  }
0x1: {  	s6 =	rddreg [dreg:$0x0]  }
0x2: {  	s7 =	rddreg [dreg:$0x1]  }
0x3: {  	s2 =	rddreg [dreg:$0x2]  }
0x4: {  	s0 =	rddreg [dreg:$0x3];
	s3 =	simm.s32 $0x0;
	s4 =	srdreg.scid  }
0x5: {  	s1 =	stileid.u32;
	s14 =	simm.s32 $0x20;
	s15 =	simm.s32 $0x10  }
0x6: {  	s16 =	simm.s32 $0x0;
	[smem:$0x7FF] =	sst s3;
	s8 =	sand.u32 $0x1, s4  }
0x7: {  	s28 =	sshll.u32 s1, $0x1;
	s4 =	sadd.s32 $0x16600, s6;
	s12 =	smul.u32 $0x500, s1  }
0x8: {  	s13 =	smul.u32 $0xA00, s1;
	s31 =	sshll.u32 s1, $0x6;
	_ =	strace $0x80000047  }
0x9: {  	s5 =	sor.u32 s8, s28;
	s9 =	ssub.s32 $0x2, s8;
	s8 =	sshll.u32 s8, $0x7  }
0xa: {  	s10 =	smul.u32 $0x2800, s5;
	s5 =	sadd.s32 $0x16800, s6;
	s11 =	sshrl.u32 s9, $0x1  }
0xb: {  	s8 =	sor.u32 s8, s12;
	s29 =	sshrl.u32 s13, $0x2;
	s13 =	simm.s32 $0x7D  }
0xc: {  	s9 =	ssub.s32 s9, s11;
	s8 =	sshrl.u32 s8, $0x3;
	s30 =	sadd.s32 s29, s2  }
0xd: {  	s11 =	sor.u32 $0x1C01, s31;
	s10 =	sshrl.u32 s10, $0x3;
	s7 =	sadd.s32 s7, s8  }
0xe: {  	s8 =	smax.u32 s9, $0x1;
	s9 =	simm.s32 $0x1;
	s6 =	sadd.s32 s6, s10  }
0xf: {  	s12 =	sshrl.u32 s30, $0x3;
	s10 =	simm.s32 $0x2800;
	s6 =	sadd.s32 $0xC600, s6  }
.LBB2_1:
0x10: {  	[tilespmem:s3], [sflag:$0x1] =	stream.linear.gather [hbm4b:s6+s3], $0x2800, $0x38;
	[tilespmem:$0x2B00] =	vst v63  }
0x11: {  	_ =	swait.ge [sflag:s9], $0x2800  }
0x12: {  	[sflag:s9] =	ssyncset.done $0x0  }
0x13: {  	[sflag:s9] =	ssyncadd.s32 $0xFFFFD800  }
0x14: {  	[tilespmem:s10], [sflag:$0x1] =	stream.linear.gather [hbm4b:s5+s3], $0x80, $0x38;
	[tilespmem:$0x2B00] =	vst v63  }
0x15: {  	_ =	swait.ge [sflag:s9], $0x80  }
0x16: {  	[sflag:s9] =	ssyncset.done $0x0  }
0x17: {  	[sflag:s9] =	ssyncadd.s32 $0xFFFFFF80  }
0x18: {  	[spmem:s12], [sflag:s11] =	dma.local [hbm:s4], $0x50  }
0x19: {  	_ =	swait.ge [sflag:s9], $0x50  }
0x1a: {  	[sflag:s9] =	ssyncset.done $0x0  }
0x1b: {  	[sflag:s9] =	ssyncadd.s32 $0xFFFFFFB0  }
0x1c: {  	s17 =	simm.s32 $0x0;
	[bflag:$0x0] =	sbarrier.arrive $0xFFFF  }
0x1d: {  	[spmem:s2] =	stream.indirect.scatter.add.f32 [tilespmem:s10], [sflag:$0x1], $0x1, s17, s13, $0xb8;
	[tilespmem:$0x2B00] =	vst v63  }
0x1e: {  	_ =	swait.ge [sflag:s9], $0x7D  }
0x1f: {  	s17 =	simm.s32 $0x200;
	[sflag:s9] =	ssyncset.done $0x0  }
.LBB2_2:
0x20: {  	s18 =	sshra.s32 s17, $0x2;
	[sflag:s9] =	ssyncadd.s32 $0xFFFFFF83;
	p0 =	sne.s32 s17, $0x9E00  }
0x21: {  	[spmem:s2] =	stream.indirect.scatter.add.f32 [tilespmem:s10], [sflag:$0x1], $0x1, s18, s13, $0xb8;
	[tilespmem:$0x2B00] =	vst v63  }
.Ltmp0:
0x22: {  	_ = 	snop;
	(pc) =	sbr.rel @p0 .LBB2_2-.Ltmp0, $4  }
0x23: {  	_ = 	snop  }
0x24: {  	s17 =	sadd.s32 $0x200, s17  }
0x25: {  	_ =	swait.ge [sflag:s9], $0x7D  }
0x26: {  	[sflag:s9] =	ssyncset.done $0x0  }
0x27: {  	s16 =	sadd.s32 $0x1, s16  }
0x28: {  	[sflag:s9] =	ssyncadd.s32 $0xFFFFFF83;
	p0 =	sne.s32 s16, s8  }
.Ltmp1:
0x29: {  	[bflag:$0x0] =	sbarrier.arrive $0xFFFF;
	(pc) =	sbr.rel @p0 .LBB2_1-.Ltmp1, $4  }
0x2a: {  	[hbm:s7@s14], [sflag:s11] =	dma.strided [spmem:s12@s15], $0x50, s9, $0x10   }
0x2b: {  	_ =	swait.ge [sflag:s9], $0x50  }
0x2c: {  	[sflag:s9] =	ssyncset.done $0x0  }
0x2d: {  	[sflag:s9] =	ssyncadd.s32 $0xFFFFFFB0  }
0x2e: {  	_ =	sfence.sel $0x180000  }
0x2f: {  	[bflag:$0x0] =	sbarrier.arrive $0xFFFF  }
0x30: {  	p0 =	sne.s32 s1, $0x0;
	_ =	strace $0x90000047  }
0x31: {  	s0 =	sadd.s32 @!p0 $0x100000, s0;
	[bflag:$0x2] =	sbarrier.arrive $0xFFFF  }
0x32: {  	[sflag:s0] =	ssyncadd.tile.s32 @!p0 $0x1;
	_ =	shalt  }
.Lfunc_end2:
_tile_overlayer_lowered:
.L_overlay_start_2:
0x33: {  	(tag) =	ssettag $0x2  }
0x34: {  	s0 =	rddreg [dreg:$0x0];
	s2 =	stileid.u32  }
0x35: {  	s1 =	rddreg [dreg:$0x1];
	p0 =	sne.s32 s2, $0x0  }
0x36: {  	s3 =	rddreg [dreg:$0x2];
	[bflag:$0x3] =	sbarrier.arrive $0xFFFF;
	s2 =	simm.s32 @!p0 $0x1C01  }
0x37: {  	[timem:s3], [sflag:s2] =	dma.local @!p0 [hbm:s0], s1  }
0x38: {  	s0 =	simm.s32 @!p0 $0x1  }
0x39: {  	_ =	swait.ge @!p0 [sflag:s0], s1  }
0x3a: {  	s1 =	ssub.s32 @!p0 $0x0, s1;
	[sflag:s0] =	ssyncset.done @!p0 $0x0  }
0x3b: {  	[sflag:s0] =	ssyncadd.s32 @!p0 s1  }
0x3c: {  	[bflag:$0x3] =	sbarrier.arrive $0xFFFF  }
0x3d: {  	_ =	shalt  }

</sc_bundles>
